<compile_context>
chip_gen: v7x
topology: tpu7x:2x2x1
jax: 0.10.2.dev20260603
libtpu: 0.0.44.dev20260713+nightly
codegen_flags: <defaults>
</compile_context>

<pallas_src>
import functools

import jax
import jax.numpy as jnp
from jax import lax
from jax.experimental import pallas as pl
from jax.experimental.pallas import tpu as pltpu
from jax.experimental.pallas import tpu_sc as plsc

_INFO = plsc.get_sparse_core_info()
_NC, _NS, _L = _INFO.num_cores, _INFO.num_subcores, _INFO.num_lanes

_CHUNK = 128


def _make_kernel(B, TT, TA, D):
    mesh = plsc.VectorSubcoreMesh(core_axis_name="c", subcore_axis_name="s")
    half = TA // 2
    n_chunks = half // _CHUNK
    b_per_core = B // _NC

    KD = D // 128

    @functools.partial(
        pl.kernel,
        out_type=jax.ShapeDtypeStruct((B * TA * KD, 128), jnp.float32),
        mesh=mesh,
        scratch_types=[
            pltpu.VMEM((TA, B), jnp.int32),
            pltpu.VMEM((TT, B), jnp.int32),
            pltpu.VMEM((TA, B), jnp.int32),
            pltpu.VMEM((B, _L), jnp.int32),
            pltpu.VMEM((_CHUNK, 1), jnp.int32),
            pltpu.VMEM((KD, _CHUNK), jnp.int32),
            pltpu.VMEM((KD * _CHUNK, 128), jnp.float32),
            pltpu.VMEM_SHARED((TA, B), jnp.int32),
            pltpu.VMEM_SHARED((B, _L), jnp.int32),
            pltpu.VMEM_SHARED((KD * _CHUNK, 128), jnp.float32),
            pltpu.SemaphoreType.DMA,
        ],
        compiler_params=pltpu.CompilerParams(
            use_tc_tiling_on_sc=False, needs_layout_passes=False),
    )
    def aligner(enc_hbm, align_hbm, text_hbm, out_hbm,
                align_v, text_v, idxb_v, live_v, idxc_v, idx2_v, rows_v,
                idx_sh, live_sh, zeros_sh, sem):
        c = lax.axis_index("c")
        s = lax.axis_index("s")
        lane = lax.iota(jnp.int32, _L)
        zeros_i = jnp.zeros((_L,), jnp.int32)
        ones_i = jnp.ones((_L,), jnp.int32)
        tt_max = jnp.full((_L,), TT - 1, jnp.int32)
        tt_full = jnp.full((_L,), TT, jnp.int32)
        zf = jnp.zeros((_L,), jnp.float32)

        @pl.when(s == 0)
        def _phase1():
            pltpu.sync_copy(align_hbm, align_v)
            pltpu.sync_copy(text_hbm, text_v)
            idxb_v[0] = zeros_i

            DEPTH = 5

            def step(t, carry):
                ind, ts, live = carry
                a = align_v[t]
                m = a == ts[0]
                ind = jnp.where(m, ind, ind + ones_i)
                ts = [jnp.where(m, ts[k], ts[k + 1])
                      for k in range(DEPTH - 1)] + [None]
                safe = jnp.minimum(ind, tt_max)
                ts[DEPTH - 1] = plsc.load_gather(
                    text_v,
                    [jnp.minimum(safe + (DEPTH - 1), tt_max), lane])
                idxb_v[t] = safe
                live = live + jnp.where(ind < tt_full, ones_i, zeros_i)
                return ind, ts, live

            init = (zeros_i,
                    [plsc.load_gather(
                        text_v,
                        [jnp.minimum(zeros_i + k, tt_max), lane])
                     for k in range(DEPTH)],
                    ones_i)
            n_main = ((TA - 1) // 8) * 8
            carry = plsc.parallel_loop(1, 1 + n_main, carry=init, unroll=8)(
                step)
            carry = plsc.parallel_loop(1 + n_main, TA, carry=carry)(step)
            live = carry[2]
            for j in range(_L):
                plsc.store_scatter(
                    live_v, [lane, jnp.full((_L,), j, jnp.int32)], live)
            pltpu.sync_copy(idxb_v, idx_sh)
            pltpu.sync_copy(live_v, live_sh)

        @pl.when(s == 1)
        def _make_zeros():
            def zrow(r, carry):
                for j in range(128 // _L):
                    rows_v[r, pl.ds(j * _L, _L)] = zf
                return carry

            lax.fori_loop(0, KD * _CHUNK, zrow, 0)
            pltpu.sync_copy(rows_v, zeros_sh)

        plsc.subcore_barrier()

        b = c * b_per_core + s // 2
        f_base = (s % 2) * half
        pltpu.sync_copy(live_sh, live_v)
        live_b = live_v[b][0]

        lane7 = lane & jnp.full((_L,), 7, jnp.int32)
        lane_k8 = lane & jnp.full((_L,), 8, jnp.int32)

        def do_chunk(k, carry):
            f0 = f_base + k * _CHUNK
            obase = KD * (b * TA + f0)
            rem = live_b - f0

            @pl.when(rem > 0)
            def _gather():
                pltpu.sync_copy(
                    idx_sh.at[pl.ds(f0, _CHUNK), pl.ds(b, 1)], idxc_v)
                boff = jnp.full((_L,), b * TT * KD, jnp.int32)
                for g in range(_CHUNK // 8):
                    v = plsc.load_gather(
                        idxc_v,
                        [jnp.full((_L,), g * 8, jnp.int32) + lane7, zeros_i])
                    row = boff + ((v >> 3) << 4) + (v & 7) + lane_k8
                    idx2_v[g // 8, pl.ds((g % 8) * _L, _L)] = row
                cps = [
                    pltpu.async_copy(
                        enc_hbm.at[idx2_v.at[kk]],
                        rows_v.at[pl.ds(kk * _CHUNK, _CHUNK)], sem)
                    for kk in range(KD)
                ]
                for cp in cps:
                    cp.wait()

                @pl.when(rem < _CHUNK)
                def _zero_tail():
                    def zrow(p, carry2):
                        frame = (p // (8 * KD)) * 8 + (p % 8)

                        @pl.when(frame >= rem)
                        def _z():
                            for j in range(128 // _L):
                                rows_v[p, pl.ds(j * _L, _L)] = zf

                        return carry2

                    lax.fori_loop((rem // 8) * 8 * KD, KD * _CHUNK, zrow, 0)

                pltpu.sync_copy(rows_v, out_hbm.at[pl.ds(obase, KD * _CHUNK)])

            @pl.when(rem <= 0)
            def _zeros():
                pltpu.sync_copy(zeros_sh, out_hbm.at[pl.ds(obase, KD * _CHUNK)])

            return carry

        lax.fori_loop(0, n_chunks, do_chunk, 0)

    return aligner


def kernel(encoder_out, align_phone, text_phone):
    B, TT, D = encoder_out.shape
    TA = align_phone.shape[1]
    KD = D // 128
    enc_t = (encoder_out.reshape(B, TT // 8, 8, KD, 128)
             .transpose(0, 1, 3, 2, 4).reshape(B * TT * KD, 128))
    out = _make_kernel(B, TT, TA, D)(
        enc_t, align_phone.astype(jnp.int32).T, text_phone.astype(jnp.int32).T)
    return (out.reshape(B, TA // 8, KD, 8, 128)
            .transpose(0, 1, 3, 2, 4).reshape(B, TA, D))

# --- scband reference (transcript-rebuilt; emitter-appended) ---
"""Pipeline reference for scband-encoder-postnet-15367392985793 (READ-ONLY COPY).

The authoritative reference and input builder live on the scoring server;
editing this copy changes nothing except your own understanding.
"""

import jax, jax.numpy as jnp
import numpy as np


def setup_inputs(seed: int = 0):
    key = jax.random.key(seed)
    k1, k2, k3 = jax.random.split(key, 3)
    encoder_out = jax.random.normal(k1, (16, 512, 256), dtype=jnp.float32)
    align_phone = jax.random.randint(k2, (16, 2048), 0, 50, dtype=jnp.int32)
    text_phone = jax.random.randint(k3, (16, 512), 0, 50, dtype=jnp.int32)
    return {"encoder_out": encoder_out, "align_phone": align_phone, "text_phone": text_phone}


def _aligner(encoder_out, align_phone, text_phone):
    T_text = encoder_out.shape[1]

    def per_example(enc, align, text):
        def step(carry, a):
            ind, before, done = carry
            match = a == before
            ind2 = jnp.where(match, ind, ind + jnp.int32(1))
            trigger = jnp.logical_and(jnp.logical_not(match), ind2 >= T_text)
            done_new = jnp.logical_or(done, trigger)
            safe = jnp.minimum(ind2, jnp.int32(T_text - 1))
            before_new = jnp.where(match, before, text[safe])
            out = jnp.where(done_new, jnp.zeros_like(enc[0]), enc[safe])
            ind_f = jnp.where(done, ind, safe)
            before_f = jnp.where(done, before, before_new)
            return (ind_f, before_f, done_new), out

        init = (jnp.int32(0), text[0], jnp.array(False))
        _, outs = jax.lax.scan(step, init, align[1:])
        return jnp.concatenate([enc[0][None, :], outs], axis=0)

    return jax.vmap(per_example)(encoder_out, align_phone, text_phone)


def reference(encoder_out, align_phone, text_phone):
    # Faithful port of Encoder_Postnet.aligner: expands phone-level encoder
    # states to frame level. Per batch element, walk through align_phone;
    # when the frame phone differs from the current text phone, advance the
    # encoder index (breaking -> zeros once the text phones are exhausted).
    return _aligner(encoder_out, align_phone, text_phone)

if __name__ == "__main__":
    import jax
    _d = setup_inputs()
    print(jax.jit(kernel)(*tuple(_d.values())))

</pallas_src>

<mosaic_0001>
#map = affine_map<(d0, d1) -> (0, 0)>
module attributes {stable_mosaic.version = 14 : i64} {
  func.func @aligner(%arg0: i32, %arg1: i32, %arg2: memref<16384x128xf32, #tpu.memory_space<hbm>>, %arg3: memref<2048x16xi32, #tpu.memory_space<hbm>>, %arg4: memref<512x16xi32, #tpu.memory_space<hbm>>, %arg5: memref<65536x128xf32, #tpu.memory_space<hbm>>, %arg6: memref<2048x16xi32, #tpu.memory_space<vmem>>, %arg7: memref<512x16xi32, #tpu.memory_space<vmem>>, %arg8: memref<2048x16xi32, #tpu.memory_space<vmem>>, %arg9: memref<16x16xi32, #tpu.memory_space<vmem>>, %arg10: memref<128x1xi32, #tpu.memory_space<vmem>>, %arg11: memref<2x128xi32, #tpu.memory_space<vmem>>, %arg12: memref<256x128xf32, #tpu.memory_space<vmem>>, %arg13: memref<2048x16xi32, #tpu.memory_space<vmem_shared>>, %arg14: memref<16x16xi32, #tpu.memory_space<vmem_shared>>, %arg15: memref<256x128xf32, #tpu.memory_space<vmem_shared>>, %arg16: memref<!tpu.dma_semaphore, #tpu.memory_space<semaphore_mem>>) attributes {dimension_semantics = [#tpu.dimension_semantics<core_parallel>, #tpu.dimension_semantics<subcore_parallel>], iteration_bounds = array<i64: 2, 16>, scalar_prefetch = 0 : i64, scratch_operands = 11 : i64, tpu.core_type = #tpu.core_type<sc_vector_subcore>, window_params = [{transform_indices = #map}, {transform_indices = #map}, {transform_indices = #map}, {transform_indices = #map}]} {
    %iota3A = tpu.iota {dimensions = array<i32: 0>} : vector<16xi32>
    %broadcast_in_dim3A = arith.constant 0 : i32
    %broadcast_in_dim3A_0 = vector.broadcast %broadcast_in_dim3A : i32 to vector<16xi32>
    %broadcast_in_dim3A_1 = arith.constant 1 : i32
    %broadcast_in_dim3A_2 = vector.broadcast %broadcast_in_dim3A_1 : i32 to vector<16xi32>
    %broadcast_in_dim3A_3 = arith.constant 511 : i32
    %broadcast_in_dim3A_4 = vector.broadcast %broadcast_in_dim3A_3 : i32 to vector<16xi32>
    %broadcast_in_dim3A_5 = arith.constant 512 : i32
    %broadcast_in_dim3A_6 = vector.broadcast %broadcast_in_dim3A_5 : i32 to vector<16xi32>
    %broadcast_in_dim3A_7 = arith.constant 0.000000e+00 : f32
    %broadcast_in_dim3A_8 = vector.broadcast %broadcast_in_dim3A_7 : f32 to vector<16xf32>
    %eq3A = arith.constant 0 : i32
    %eq3A_9 = arith.cmpi eq, %arg1, %eq3A : i32
    %convert_element_type3A = arith.extui %eq3A_9 : i1 to i32
    %cond3A = arith.constant 0 : i32
    %cond3A_10 = arith.cmpi ne, %convert_element_type3A, %cond3A : i32
    scf.if %cond3A_10 {
      "tpu.region"() ({
        %run_scoped3A = tpu.sem_alloc : memref<!tpu.dma_semaphore, #tpu.memory_space<semaphore_mem>>
        tpu.enqueue_dma source(%arg3 : memref<2048x16xi32, #tpu.memory_space<hbm>>) target(%arg6 : memref<2048x16xi32, #tpu.memory_space<vmem>>) target_semaphore(%run_scoped3A : memref<!tpu.dma_semaphore, #tpu.memory_space<semaphore_mem>>)
        tpu.wait_dma2 semaphore(%run_scoped3A : memref<!tpu.dma_semaphore, #tpu.memory_space<semaphore_mem>>) src(%arg3 : memref<2048x16xi32, #tpu.memory_space<hbm>>) dst(%arg6 : memref<2048x16xi32, #tpu.memory_space<vmem>>)
        tpu.yield
      }) : () -> ()
      "tpu.region"() ({
        %run_scoped3A = tpu.sem_alloc : memref<!tpu.dma_semaphore, #tpu.memory_space<semaphore_mem>>
        tpu.enqueue_dma source(%arg4 : memref<512x16xi32, #tpu.memory_space<hbm>>) target(%arg7 : memref<512x16xi32, #tpu.memory_space<vmem>>) target_semaphore(%run_scoped3A : memref<!tpu.dma_semaphore, #tpu.memory_space<semaphore_mem>>)
        tpu.wait_dma2 semaphore(%run_scoped3A : memref<!tpu.dma_semaphore, #tpu.memory_space<semaphore_mem>>) src(%arg4 : memref<512x16xi32, #tpu.memory_space<hbm>>) dst(%arg7 : memref<512x16xi32, #tpu.memory_space<vmem>>)
        tpu.yield
      }) : () -> ()
      %swap3A = arith.constant 0 : i32
      %swap3A_63 = arith.index_cast %swap3A : i32 to index
      %swap3A_64 = arith.constant 0 : index
      %swap3A_65 = tpu.vector_load %arg8[%swap3A_63, %swap3A_64] {strides = array<i32>} : memref<2048x16xi32, #tpu.memory_space<vmem>>, vector<16xi32>,
      tpu.vector_store %arg8[%swap3A_63, %swap3A_64], %broadcast_in_dim3A_0 {strides = array<i32>} : memref<2048x16xi32, #tpu.memory_space<vmem>>, vector<16xi32>,
      %add3A_66 = arith.constant 0 : i32
      %add3A_67 = vector.broadcast %add3A_66 : i32 to vector<16xi32>
      %add3A_68 = arith.addi %broadcast_in_dim3A_0, %add3A_67 : vector<16xi32>
      %min3A = arith.minsi %add3A_68, %broadcast_in_dim3A_4 : vector<16xi32>
      %gather3A = tpu.vector_load_idx %arg7[%min3A, %iota3A] : memref<512x16xi32, #tpu.memory_space<vmem>>[vector<16xi32>, vector<16xi32>], vector<16xi32>,
      %add3A_69 = arith.constant 1 : i32
      %add3A_70 = vector.broadcast %add3A_69 : i32 to vector<16xi32>
      %add3A_71 = arith.addi %broadcast_in_dim3A_0, %add3A_70 : vector<16xi32>
      %min3A_72 = arith.minsi %add3A_71, %broadcast_in_dim3A_4 : vector<16xi32>
      %gather3A_73 = tpu.vector_load_idx %arg7[%min3A_72, %iota3A] : memref<512x16xi32, #tpu.memory_space<vmem>>[vector<16xi32>, vector<16xi32>], vector<16xi32>,
      %add3A_74 = arith.constant 2 : i32
      %add3A_75 = vector.broadcast %add3A_74 : i32 to vector<16xi32>
      %add3A_76 = arith.addi %broadcast_in_dim3A_0, %add3A_75 : vector<16xi32>
      %min3A_77 = arith.minsi %add3A_76, %broadcast_in_dim3A_4 : vector<16xi32>
      %gather3A_78 = tpu.vector_load_idx %arg7[%min3A_77, %iota3A] : memref<512x16xi32, #tpu.memory_space<vmem>>[vector<16xi32>, vector<16xi32>], vector<16xi32>,
      %add3A_79 = arith.constant 3 : i32
      %add3A_80 = vector.broadcast %add3A_79 : i32 to vector<16xi32>
      %add3A_81 = arith.addi %broadcast_in_dim3A_0, %add3A_80 : vector<16xi32>
      %min3A_82 = arith.minsi %add3A_81, %broadcast_in_dim3A_4 : vector<16xi32>
      %gather3A_83 = tpu.vector_load_idx %arg7[%min3A_82, %iota3A] : memref<512x16xi32, #tpu.memory_space<vmem>>[vector<16xi32>, vector<16xi32>], vector<16xi32>,
      %add3A_84 = arith.constant 4 : i32
      %add3A_85 = vector.broadcast %add3A_84 : i32 to vector<16xi32>
      %add3A_86 = arith.addi %broadcast_in_dim3A_0, %add3A_85 : vector<16xi32>
      %min3A_87 = arith.minsi %add3A_86, %broadcast_in_dim3A_4 : vector<16xi32>
      %gather3A_88 = tpu.vector_load_idx %arg7[%min3A_87, %iota3A] : memref<512x16xi32, #tpu.memory_space<vmem>>[vector<16xi32>, vector<16xi32>], vector<16xi32>,
      %parallel_loop3A = arith.constant 1 : i32
      %parallel_loop3A_89 = arith.constant 2041 : i32
      %parallel_loop3A_90 = arith.constant 1 : i32
      %parallel_loop3A_91:7 = scf.for %parallel_loop3A_128 = %parallel_loop3A to %parallel_loop3A_89 step %parallel_loop3A_90 iter_args(%parallel_loop3A_129 = %broadcast_in_dim3A_0, %parallel_loop3A_130 = %gather3A, %parallel_loop3A_131 = %gather3A_73, %parallel_loop3A_132 = %gather3A_78, %parallel_loop3A_133 = %gather3A_83, %parallel_loop3A_134 = %gather3A_88, %parallel_loop3A_135 = %broadcast_in_dim3A_2) -> (vector<16xi32>, vector<16xi32>, vector<16xi32>, vector<16xi32>, vector<16xi32>, vector<16xi32>, vector<16xi32>)  : i32 {
        %parallel_loop3A_136 = arith.index_cast %parallel_loop3A_128 : i32 to index
        %parallel_loop3A_137 = arith.constant 0 : index
        %parallel_loop3A_138 = tpu.vector_load %arg6[%parallel_loop3A_136, %parallel_loop3A_137] {strides = array<i32>} : memref<2048x16xi32, #tpu.memory_space<vmem>>, vector<16xi32>,
        %parallel_loop3A_139 = arith.cmpi eq, %parallel_loop3A_138, %parallel_loop3A_130 : vector<16xi32>
        %parallel_loop3A_140 = arith.addi %parallel_loop3A_129, %broadcast_in_dim3A_2 : vector<16xi32>
        %parallel_loop3A_141 = arith.select %parallel_loop3A_139, %parallel_loop3A_129, %parallel_loop3A_140 : vector<16xi1>, vector<16xi32>
        %parallel_loop3A_142 = arith.select %parallel_loop3A_139, %parallel_loop3A_130, %parallel_loop3A_131 : vector<16xi1>, vector<16xi32>
        %parallel_loop3A_143 = arith.select %parallel_loop3A_139, %parallel_loop3A_131, %parallel_loop3A_132 : vector<16xi1>, vector<16xi32>
        %parallel_loop3A_144 = arith.select %parallel_loop3A_139, %parallel_loop3A_132, %parallel_loop3A_133 : vector<16xi1>, vector<16xi32>
        %parallel_loop3A_145 = arith.select %parallel_loop3A_139, %parallel_loop3A_133, %parallel_loop3A_134 : vector<16xi1>, vector<16xi32>
        %parallel_loop3A_146 = arith.minsi %parallel_loop3A_141, %broadcast_in_dim3A_4 : vector<16xi32>
        %parallel_loop3A_147 = arith.constant 4 : i32
        %parallel_loop3A_148 = vector.broadcast %parallel_loop3A_147 : i32 to vector<16xi32>
        %parallel_loop3A_149 = arith.addi %parallel_loop3A_146, %parallel_loop3A_148 : vector<16xi32>
        %parallel_loop3A_150 = arith.minsi %parallel_loop3A_149, %broadcast_in_dim3A_4 : vector<16xi32>
        %parallel_loop3A_151 = tpu.vector_load_idx %arg7[%parallel_loop3A_150, %iota3A] : memref<512x16xi32, #tpu.memory_space<vmem>>[vector<16xi32>, vector<16xi32>], vector<16xi32>,
        %parallel_loop3A_152 = arith.index_cast %parallel_loop3A_128 : i32 to index
        %parallel_loop3A_153 = arith.constant 0 : index
        %parallel_loop3A_154 = tpu.vector_load %arg8[%parallel_loop3A_152, %parallel_loop3A_153] {strides = array<i32>} : memref<2048x16xi32, #tpu.memory_space<vmem>>, vector<16xi32>,
        tpu.vector_store %arg8[%parallel_loop3A_152, %parallel_loop3A_153], %parallel_loop3A_146 {strides = array<i32>} : memref<2048x16xi32, #tpu.memory_space<vmem>>, vector<16xi32>,
        %parallel_loop3A_155 = arith.cmpi slt, %parallel_loop3A_141, %broadcast_in_dim3A_6 : vector<16xi32>
        %parallel_loop3A_156 = arith.select %parallel_loop3A_155, %broadcast_in_dim3A_2, %broadcast_in_dim3A_0 : vector<16xi1>, vector<16xi32>
        %parallel_loop3A_157 = arith.addi %parallel_loop3A_135, %parallel_loop3A_156 : vector<16xi32>
        scf.yield %parallel_loop3A_141, %parallel_loop3A_142, %parallel_loop3A_143, %parallel_loop3A_144, %parallel_loop3A_145, %parallel_loop3A_151, %parallel_loop3A_157 : vector<16xi32>, vector<16xi32>, vector<16xi32>, vector<16xi32>, vector<16xi32>, vector<16xi32>, vector<16xi32>
      } {sc.loop_unroll_factor = 8 : i64, sc.parallel_access}
      %parallel_loop3A_92 = arith.constant 2041 : i32
      %parallel_loop3A_93 = arith.constant 2048 : i32
      %parallel_loop3A_94 = arith.constant 1 : i32
      %parallel_loop3A_95:7 = scf.for %parallel_loop3A_128 = %parallel_loop3A_92 to %parallel_loop3A_93 step %parallel_loop3A_94 iter_args(%parallel_loop3A_129 = %parallel_loop3A_91#0, %parallel_loop3A_130 = %parallel_loop3A_91#1, %parallel_loop3A_131 = %parallel_loop3A_91#2, %parallel_loop3A_132 = %parallel_loop3A_91#3, %parallel_loop3A_133 = %parallel_loop3A_91#4, %parallel_loop3A_134 = %parallel_loop3A_91#5, %parallel_loop3A_135 = %parallel_loop3A_91#6) -> (vector<16xi32>, vector<16xi32>, vector<16xi32>, vector<16xi32>, vector<16xi32>, vector<16xi32>, vector<16xi32>)  : i32 {
        %parallel_loop3A_136 = arith.index_cast %parallel_loop3A_128 : i32 to index
        %parallel_loop3A_137 = arith.constant 0 : index
        %parallel_loop3A_138 = tpu.vector_load %arg6[%parallel_loop3A_136, %parallel_loop3A_137] {strides = array<i32>} : memref<2048x16xi32, #tpu.memory_space<vmem>>, vector<16xi32>,
        %parallel_loop3A_139 = arith.cmpi eq, %parallel_loop3A_138, %parallel_loop3A_130 : vector<16xi32>
        %parallel_loop3A_140 = arith.addi %parallel_loop3A_129, %broadcast_in_dim3A_2 : vector<16xi32>
        %parallel_loop3A_141 = arith.select %parallel_loop3A_139, %parallel_loop3A_129, %parallel_loop3A_140 : vector<16xi1>, vector<16xi32>
        %parallel_loop3A_142 = arith.select %parallel_loop3A_139, %parallel_loop3A_130, %parallel_loop3A_131 : vector<16xi1>, vector<16xi32>
        %parallel_loop3A_143 = arith.select %parallel_loop3A_139, %parallel_loop3A_131, %parallel_loop3A_132 : vector<16xi1>, vector<16xi32>
        %parallel_loop3A_144 = arith.select %parallel_loop3A_139, %parallel_loop3A_132, %parallel_loop3A_133 : vector<16xi1>, vector<16xi32>
        %parallel_loop3A_145 = arith.select %parallel_loop3A_139, %parallel_loop3A_133, %parallel_loop3A_134 : vector<16xi1>, vector<16xi32>
        %parallel_loop3A_146 = arith.minsi %parallel_loop3A_141, %broadcast_in_dim3A_4 : vector<16xi32>
        %parallel_loop3A_147 = arith.constant 4 : i32
        %parallel_loop3A_148 = vector.broadcast %parallel_loop3A_147 : i32 to vector<16xi32>
        %parallel_loop3A_149 = arith.addi %parallel_loop3A_146, %parallel_loop3A_148 : vector<16xi32>
        %parallel_loop3A_150 = arith.minsi %parallel_loop3A_149, %broadcast_in_dim3A_4 : vector<16xi32>
        %parallel_loop3A_151 = tpu.vector_load_idx %arg7[%parallel_loop3A_150, %iota3A] : memref<512x16xi32, #tpu.memory_space<vmem>>[vector<16xi32>, vector<16xi32>], vector<16xi32>,
        %parallel_loop3A_152 = arith.index_cast %parallel_loop3A_128 : i32 to index
        %parallel_loop3A_153 = arith.constant 0 : index
        %parallel_loop3A_154 = tpu.vector_load %arg8[%parallel_loop3A_152, %parallel_loop3A_153] {strides = array<i32>} : memref<2048x16xi32, #tpu.memory_space<vmem>>, vector<16xi32>,
        tpu.vector_store %arg8[%parallel_loop3A_152, %parallel_loop3A_153], %parallel_loop3A_146 {strides = array<i32>} : memref<2048x16xi32, #tpu.memory_space<vmem>>, vector<16xi32>,
        %parallel_loop3A_155 = arith.cmpi slt, %parallel_loop3A_141, %broadcast_in_dim3A_6 : vector<16xi32>
        %parallel_loop3A_156 = arith.select %parallel_loop3A_155, %broadcast_in_dim3A_2, %broadcast_in_dim3A_0 : vector<16xi1>, vector<16xi32>
        %parallel_loop3A_157 = arith.addi %parallel_loop3A_135, %parallel_loop3A_156 : vector<16xi32>
        scf.yield %parallel_loop3A_141, %parallel_loop3A_142, %parallel_loop3A_143, %parallel_loop3A_144, %parallel_loop3A_145, %parallel_loop3A_151, %parallel_loop3A_157 : vector<16xi32>, vector<16xi32>, vector<16xi32>, vector<16xi32>, vector<16xi32>, vector<16xi32>, vector<16xi32>
      } {sc.loop_unroll_factor = 1 : i64, sc.parallel_access}
      %broadcast_in_dim3A_96 = arith.constant 0 : i32
      %broadcast_in_dim3A_97 = vector.broadcast %broadcast_in_dim3A_96 : i32 to vector<16xi32>
      tpu.vector_store_idx %arg9[%iota3A, %broadcast_in_dim3A_97], %parallel_loop3A_95#6 : memref<16x16xi32, #tpu.memory_space<vmem>>[vector<16xi32>, vector<16xi32>], vector<16xi32>,
      %broadcast_in_dim3A_98 = arith.constant 1 : i32
      %broadcast_in_dim3A_99 = vector.broadcast %broadcast_in_dim3A_98 : i32 to vector<16xi32>
      tpu.vector_store_idx %arg9[%iota3A, %broadcast_in_dim3A_99], %parallel_loop3A_95#6 : memref<16x16xi32, #tpu.memory_space<vmem>>[vector<16xi32>, vector<16xi32>], vector<16xi32>,
      %broadcast_in_dim3A_100 = arith.constant 2 : i32
      %broadcast_in_dim3A_101 = vector.broadcast %broadcast_in_dim3A_100 : i32 to vector<16xi32>
      tpu.vector_store_idx %arg9[%iota3A, %broadcast_in_dim3A_101], %parallel_loop3A_95#6 : memref<16x16xi32, #tpu.memory_space<vmem>>[vector<16xi32>, vector<16xi32>], vector<16xi32>,
      %broadcast_in_dim3A_102 = arith.constant 3 : i32
      %broadcast_in_dim3A_103 = vector.broadcast %broadcast_in_dim3A_102 : i32 to vector<16xi32>
      tpu.vector_store_idx %arg9[%iota3A, %broadcast_in_dim3A_103], %parallel_loop3A_95#6 : memref<16x16xi32, #tpu.memory_space<vmem>>[vector<16xi32>, vector<16xi32>], vector<16xi32>,
      %broadcast_in_dim3A_104 = arith.constant 4 : i32
      %broadcast_in_dim3A_105 = vector.broadcast %broadcast_in_dim3A_104 : i32 to vector<16xi32>
      tpu.vector_store_idx %arg9[%iota3A, %broadcast_in_dim3A_105], %parallel_loop3A_95#6 : memref<16x16xi32, #tpu.memory_space<vmem>>[vector<16xi32>, vector<16xi32>], vector<16xi32>,
      %broadcast_in_dim3A_106 = arith.constant 5 : i32
      %broadcast_in_dim3A_107 = vector.broadcast %broadcast_in_dim3A_106 : i32 to vector<16xi32>
      tpu.vector_store_idx %arg9[%iota3A, %broadcast_in_dim3A_107], %parallel_loop3A_95#6 : memref<16x16xi32, #tpu.memory_space<vmem>>[vector<16xi32>, vector<16xi32>], vector<16xi32>,
      %broadcast_in_dim3A_108 = arith.constant 6 : i32
      %broadcast_in_dim3A_109 = vector.broadcast %broadcast_in_dim3A_108 : i32 to vector<16xi32>
      tpu.vector_store_idx %arg9[%iota3A, %broadcast_in_dim3A_109], %parallel_loop3A_95#6 : memref<16x16xi32, #tpu.memory_space<vmem>>[vector<16xi32>, vector<16xi32>], vector<16xi32>,
      %broadcast_in_dim3A_110 = arith.constant 7 : i32
      %broadcast_in_dim3A_111 = vector.broadcast %broadcast_in_dim3A_110 : i32 to vector<16xi32>
      tpu.vector_store_idx %arg9[%iota3A, %broadcast_in_dim3A_111], %parallel_loop3A_95#6 : memref<16x16xi32, #tpu.memory_space<vmem>>[vector<16xi32>, vector<16xi32>], vector<16xi32>,
      %broadcast_in_dim3A_112 = arith.constant 8 : i32
      %broadcast_in_dim3A_113 = vector.broadcast %broadcast_in_dim3A_112 : i32 to vector<16xi32>
      tpu.vector_store_idx %arg9[%iota3A, %broadcast_in_dim3A_113], %parallel_loop3A_95#6 : memref<16x16xi32, #tpu.memory_space<vmem>>[vector<16xi32>, vector<16xi32>], vector<16xi32>,
      %broadcast_in_dim3A_114 = arith.constant 9 : i32
      %broadcast_in_dim3A_115 = vector.broadcast %broadcast_in_dim3A_114 : i32 to vector<16xi32>
      tpu.vector_store_idx %arg9[%iota3A, %broadcast_in_dim3A_115], %parallel_loop3A_95#6 : memref<16x16xi32, #tpu.memory_space<vmem>>[vector<16xi32>, vector<16xi32>], vector<16xi32>,
      %broadcast_in_dim3A_116 = arith.constant 10 : i32
      %broadcast_in_dim3A_117 = vector.broadcast %broadcast_in_dim3A_116 : i32 to vector<16xi32>
      tpu.vector_store_idx %arg9[%iota3A, %broadcast_in_dim3A_117], %parallel_loop3A_95#6 : memref<16x16xi32, #tpu.memory_space<vmem>>[vector<16xi32>, vector<16xi32>], vector<16xi32>,
      %broadcast_in_dim3A_118 = arith.constant 11 : i32
      %broadcast_in_dim3A_119 = vector.broadcast %broadcast_in_dim3A_118 : i32 to vector<16xi32>
      tpu.vector_store_idx %arg9[%iota3A, %broadcast_in_dim3A_119], %parallel_loop3A_95#6 : memref<16x16xi32, #tpu.memory_space<vmem>>[vector<16xi32>, vector<16xi32>], vector<16xi32>,
      %broadcast_in_dim3A_120 = arith.constant 12 : i32
      %broadcast_in_dim3A_121 = vector.broadcast %broadcast_in_dim3A_120 : i32 to vector<16xi32>
      tpu.vector_store_idx %arg9[%iota3A, %broadcast_in_dim3A_121], %parallel_loop3A_95#6 : memref<16x16xi32, #tpu.memory_space<vmem>>[vector<16xi32>, vector<16xi32>], vector<16xi32>,
      %broadcast_in_dim3A_122 = arith.constant 13 : i32
      %broadcast_in_dim3A_123 = vector.broadcast %broadcast_in_dim3A_122 : i32 to vector<16xi32>
      tpu.vector_store_idx %arg9[%iota3A, %broadcast_in_dim3A_123], %parallel_loop3A_95#6 : memref<16x16xi32, #tpu.memory_space<vmem>>[vector<16xi32>, vector<16xi32>], vector<16xi32>,
      %broadcast_in_dim3A_124 = arith.constant 14 : i32
      %broadcast_in_dim3A_125 = vector.broadcast %broadcast_in_dim3A_124 : i32 to vector<16xi32>
      tpu.vector_store_idx %arg9[%iota3A, %broadcast_in_dim3A_125], %parallel_loop3A_95#6 : memref<16x16xi32, #tpu.memory_space<vmem>>[vector<16xi32>, vector<16xi32>], vector<16xi32>,
      %broadcast_in_dim3A_126 = arith.constant 15 : i32
      %broadcast_in_dim3A_127 = vector.broadcast %broadcast_in_dim3A_126 : i32 to vector<16xi32>
      tpu.vector_store_idx %arg9[%iota3A, %broadcast_in_dim3A_127], %parallel_loop3A_95#6 : memref<16x16xi32, #tpu.memory_space<vmem>>[vector<16xi32>, vector<16xi32>], vector<16xi32>,
      "tpu.region"() ({
        %run_scoped3A = tpu.sem_alloc : memref<!tpu.dma_semaphore, #tpu.memory_space<semaphore_mem>>
        tpu.enqueue_dma source(%arg8 : memref<2048x16xi32, #tpu.memory_space<vmem>>) target(%arg13 : memref<2048x16xi32, #tpu.memory_space<vmem_shared>>) target_semaphore(%run_scoped3A : memref<!tpu.dma_semaphore, #tpu.memory_space<semaphore_mem>>)
        tpu.wait_dma2 semaphore(%run_scoped3A : memref<!tpu.dma_semaphore, #tpu.memory_space<semaphore_mem>>) src(%arg8 : memref<2048x16xi32, #tpu.memory_space<vmem>>) dst(%arg13 : memref<2048x16xi32, #tpu.memory_space<vmem_shared>>)
        tpu.yield
      }) : () -> ()
      "tpu.region"() ({
        %run_scoped3A = tpu.sem_alloc : memref<!tpu.dma_semaphore, #tpu.memory_space<semaphore_mem>>
        tpu.enqueue_dma source(%arg9 : memref<16x16xi32, #tpu.memory_space<vmem>>) target(%arg14 : memref<16x16xi32, #tpu.memory_space<vmem_shared>>) target_semaphore(%run_scoped3A : memref<!tpu.dma_semaphore, #tpu.memory_space<semaphore_mem>>)
        tpu.wait_dma2 semaphore(%run_scoped3A : memref<!tpu.dma_semaphore, #tpu.memory_space<semaphore_mem>>) src(%arg9 : memref<16x16xi32, #tpu.memory_space<vmem>>) dst(%arg14 : memref<16x16xi32, #tpu.memory_space<vmem_shared>>)
        tpu.yield
      }) : () -> ()
    } else {
    }
    %eq3A_11 = arith.constant 1 : i32
    %eq3A_12 = arith.cmpi eq, %arg1, %eq3A_11 : i32
    %convert_element_type3A_13 = arith.extui %eq3A_12 : i1 to i32
    %cond3A_14 = arith.constant 0 : i32
    %cond3A_15 = arith.cmpi ne, %convert_element_type3A_13, %cond3A_14 : i32
    scf.if %cond3A_15 {
      %scan3A_63 = arith.constant 0 : i32
      %scan3A_64 = arith.constant 0 : i32
      %scan3A_65 = arith.constant 256 : i32
      %scan3A_66 = arith.addi %scan3A_64, %scan3A_65 : i32
      %scan3A_67 = arith.constant 1 : i32
      scf.for %scan3A_69 = %scan3A_64 to %scan3A_66 step %scan3A_67  : i32 {
        %swap3A = arith.index_cast %scan3A_69 : i32 to index
        %swap3A_70 = arith.constant 0 : index
        %swap3A_71 = tpu.vector_load %arg12[%swap3A, %swap3A_70] {strides = array<i32>} : memref<256x128xf32, #tpu.memory_space<vmem>>, vector<16xf32>,
        tpu.vector_store %arg12[%swap3A, %swap3A_70], %broadcast_in_dim3A_8 {strides = array<i32>} : memref<256x128xf32, #tpu.memory_space<vmem>>, vector<16xf32>,
        %swap3A_72 = arith.index_cast %scan3A_69 : i32 to index
        %swap3A_73 = arith.constant 16 : index
        %swap3A_74 = tpu.vector_load %arg12[%swap3A_72, %swap3A_73] {strides = array<i32>} : memref<256x128xf32, #tpu.memory_space<vmem>>, vector<16xf32>,
        tpu.vector_store %arg12[%swap3A_72, %swap3A_73], %broadcast_in_dim3A_8 {strides = array<i32>} : memref<256x128xf32, #tpu.memory_space<vmem>>, vector<16xf32>,
        %swap3A_75 = arith.index_cast %scan3A_69 : i32 to index
        %swap3A_76 = arith.constant 32 : index
        %swap3A_77 = tpu.vector_load %arg12[%swap3A_75, %swap3A_76] {strides = array<i32>} : memref<256x128xf32, #tpu.memory_space<vmem>>, vector<16xf32>,
        tpu.vector_store %arg12[%swap3A_75, %swap3A_76], %broadcast_in_dim3A_8 {strides = array<i32>} : memref<256x128xf32, #tpu.memory_space<vmem>>, vector<16xf32>,
        %swap3A_78 = arith.index_cast %scan3A_69 : i32 to index
        %swap3A_79 = arith.constant 48 : index
        %swap3A_80 = tpu.vector_load %arg12[%swap3A_78, %swap3A_79] {strides = array<i32>} : memref<256x128xf32, #tpu.memory_space<vmem>>, vector<16xf32>,
        tpu.vector_store %arg12[%swap3A_78, %swap3A_79], %broadcast_in_dim3A_8 {strides = array<i32>} : memref<256x128xf32, #tpu.memory_space<vmem>>, vector<16xf32>,
        %swap3A_81 = arith.index_cast %scan3A_69 : i32 to index
        %swap3A_82 = arith.constant 64 : index
        %swap3A_83 = tpu.vector_load %arg12[%swap3A_81, %swap3A_82] {strides = array<i32>} : memref<256x128xf32, #tpu.memory_space<vmem>>, vector<16xf32>,
        tpu.vector_store %arg12[%swap3A_81, %swap3A_82], %broadcast_in_dim3A_8 {strides = array<i32>} : memref<256x128xf32, #tpu.memory_space<vmem>>, vector<16xf32>,
        %swap3A_84 = arith.index_cast %scan3A_69 : i32 to index
        %swap3A_85 = arith.constant 80 : index
        %swap3A_86 = tpu.vector_load %arg12[%swap3A_84, %swap3A_85] {strides = array<i32>} : memref<256x128xf32, #tpu.memory_space<vmem>>, vector<16xf32>,
        tpu.vector_store %arg12[%swap3A_84, %swap3A_85], %broadcast_in_dim3A_8 {strides = array<i32>} : memref<256x128xf32, #tpu.memory_space<vmem>>, vector<16xf32>,
        %swap3A_87 = arith.index_cast %scan3A_69 : i32 to index
        %swap3A_88 = arith.constant 96 : index
        %swap3A_89 = tpu.vector_load %arg12[%swap3A_87, %swap3A_88] {strides = array<i32>} : memref<256x128xf32, #tpu.memory_space<vmem>>, vector<16xf32>,
        tpu.vector_store %arg12[%swap3A_87, %swap3A_88], %broadcast_in_dim3A_8 {strides = array<i32>} : memref<256x128xf32, #tpu.memory_space<vmem>>, vector<16xf32>,
        %swap3A_90 = arith.index_cast %scan3A_69 : i32 to index
        %swap3A_91 = arith.constant 112 : index
        %swap3A_92 = tpu.vector_load %arg12[%swap3A_90, %swap3A_91] {strides = array<i32>} : memref<256x128xf32, #tpu.memory_space<vmem>>, vector<16xf32>,
        tpu.vector_store %arg12[%swap3A_90, %swap3A_91], %broadcast_in_dim3A_8 {strides = array<i32>} : memref<256x128xf32, #tpu.memory_space<vmem>>, vector<16xf32>,
      }
      %scan3A_68 = arith.constant 256 : i32
      "tpu.region"() ({
        %run_scoped3A = tpu.sem_alloc : memref<!tpu.dma_semaphore, #tpu.memory_space<semaphore_mem>>
        tpu.enqueue_dma source(%arg12 : memref<256x128xf32, #tpu.memory_space<vmem>>) target(%arg15 : memref<256x128xf32, #tpu.memory_space<vmem_shared>>) target_semaphore(%run_scoped3A : memref<!tpu.dma_semaphore, #tpu.memory_space<semaphore_mem>>)
        tpu.wait_dma2 semaphore(%run_scoped3A : memref<!tpu.dma_semaphore, #tpu.memory_space<semaphore_mem>>) src(%arg12 : memref<256x128xf32, #tpu.memory_space<vmem>>) dst(%arg15 : memref<256x128xf32, #tpu.memory_space<vmem_shared>>)
        tpu.yield
      }) : () -> ()
    } else {
    }
    %barrier3A = arith.constant 0 : index
    tpu.barrier barrier_id(%barrier3A)
    %mul3A = arith.constant 8 : i32
    %mul3A_16 = arith.muli %arg0, %mul3A : i32
    %jit3A = arith.constant 2 : i32
    %div3A = arith.divsi %arg1, %jit3A : i32
    %sign3A = arith.constant 0 : i32
    %sign3A_17 = arith.cmpi sgt, %arg1, %sign3A : i32
    %sign3A_18 = arith.extui %sign3A_17 : i1 to i32
    %sign3A_19 = arith.constant 0 : i32
    %sign3A_20 = arith.cmpi slt, %arg1, %sign3A_19 : i32
    %sign3A_21 = arith.extui %sign3A_20 : i1 to i32
    %sign3A_22 = arith.subi %sign3A_18, %sign3A_21 : i32
    %sign3A_23 = arith.constant 0 : i32
    %sign3A_24 = arith.cmpi sgt, %jit3A, %sign3A_23 : i32
    %sign3A_25 = arith.extui %sign3A_24 : i1 to i32
    %sign3A_26 = arith.constant 0 : i32
    %sign3A_27 = arith.cmpi slt, %jit3A, %sign3A_26 : i32
    %sign3A_28 = arith.extui %sign3A_27 : i1 to i32
    %sign3A_29 = arith.subi %sign3A_25, %sign3A_28 : i32
    %ne3A = arith.cmpi ne, %sign3A_22, %sign3A_29 : i32
    %rem3A = arith.remsi %arg1, %jit3A : i32
    %ne3A_30 = arith.constant 0 : i32
    %ne3A_31 = arith.cmpi ne, %rem3A, %ne3A_30 : i32
    %and3A = arith.andi %ne3A, %ne3A_31 : i1
    %sub3A = arith.constant 1 : i32
    %sub3A_32 = arith.subi %div3A, %sub3A : i32
    %select_n3A = arith.select %and3A, %sub3A_32, %div3A : i32
    %add3A = arith.addi %mul3A_16, %select_n3A : i32
    %jit3A_33 = arith.constant 2 : i32
    %eq3A_34 = arith.constant 0 : i32
    %eq3A_35 = arith.cmpi eq, %jit3A_33, %eq3A_34 : i32
    %jit3A_36 = arith.constant 1 : i32
    %select_n3A_37 = arith.select %eq3A_35, %jit3A_36, %jit3A_33 : i32
    %rem3A_38 = arith.remsi %arg1, %select_n3A_37 : i32
    %ne3A_39 = arith.constant 0 : i32
    %ne3A_40 = arith.cmpi ne, %rem3A_38, %ne3A_39 : i32
    %lt3A = arith.constant 0 : i32
    %lt3A_41 = arith.cmpi slt, %rem3A_38, %lt3A : i32
    %lt3A_42 = arith.constant 0 : i32
    %lt3A_43 = arith.cmpi slt, %select_n3A_37, %lt3A_42 : i32
    %ne3A_44 = arith.xori %lt3A_41, %lt3A_43 : i1
    %and3A_45 = arith.andi %ne3A_44, %ne3A_40 : i1
    %add3A_46 = arith.addi %rem3A_38, %select_n3A_37 : i32
    %select_n3A_47 = arith.select %and3A_45, %add3A_46, %rem3A_38 : i32
    %mul3A_48 = arith.constant 1024 : i32
    %mul3A_49 = arith.muli %select_n3A_47, %mul3A_48 : i32
    "tpu.region"() ({
      %run_scoped3A = tpu.sem_alloc : memref<!tpu.dma_semaphore, #tpu.memory_space<semaphore_mem>>
      tpu.enqueue_dma source(%arg14 : memref<16x16xi32, #tpu.memory_space<vmem_shared>>) target(%arg9 : memref<16x16xi32, #tpu.memory_space<vmem>>) target_semaphore(%run_scoped3A : memref<!tpu.dma_semaphore, #tpu.memory_space<semaphore_mem>>)
      tpu.wait_dma2 semaphore(%run_scoped3A : memref<!tpu.dma_semaphore, #tpu.memory_space<semaphore_mem>>) src(%arg14 : memref<16x16xi32, #tpu.memory_space<vmem_shared>>) dst(%arg9 : memref<16x16xi32, #tpu.memory_space<vmem>>)
      tpu.yield
    }) : () -> ()
    %get3A = arith.index_cast %add3A : i32 to index
    %get3A_50 = arith.constant 0 : index
    %get3A_51 = tpu.vector_load %arg9[%get3A, %get3A_50] {strides = array<i32>} : memref<16x16xi32, #tpu.memory_space<vmem>>, vector<16xi32>,
    %slice3A = vector.extract_strided_slice %get3A_51 {offsets = [0], sizes = [1], strides = [1]} : vector<16xi32> to vector<1xi32>
    %squeeze3A = vector.extract %slice3A[0] : i32 from vector<1xi32>
    %broadcast_in_dim3A_52 = arith.constant 7 : i32
    %broadcast_in_dim3A_53 = vector.broadcast %broadcast_in_dim3A_52 : i32 to vector<16xi32>
    %and3A_54 = arith.andi %iota3A, %broadcast_in_dim3A_53 : vector<16xi32>
    %broadcast_in_dim3A_55 = arith.constant 8 : i32
    %broadcast_in_dim3A_56 = vector.broadcast %broadcast_in_dim3A_55 : i32 to vector<16xi32>
    %and3A_57 = arith.andi %iota3A, %broadcast_in_dim3A_56 : vector<16xi32>
    %scan3A = arith.constant 0 : i32
    %scan3A_58 = arith.constant 0 : i32
    %scan3A_59 = arith.constant 8 : i32
    %scan3A_60 = arith.addi %scan3A_58, %scan3A_59 : i32
    %scan3A_61 = arith.constant 1 : i32
    scf.for %scan3A_63 = %scan3A_58 to %scan3A_60 step %scan3A_61  : i32 {
      %mul3A_64 = arith.constant 128 : i32
      %mul3A_65 = arith.muli %scan3A_63, %mul3A_64 : i32
      %add3A_66 = arith.addi %mul3A_49, %mul3A_65 : i32
      %mul3A_67 = arith.constant 2048 : i32
      %mul3A_68 = arith.muli %add3A, %mul3A_67 : i32
      %add3A_69 = arith.addi %mul3A_68, %add3A_66 : i32
      %mul3A_70 = arith.constant 2 : i32
      %mul3A_71 = arith.muli %mul3A_70, %add3A_69 : i32
      %sub3A_72 = arith.subi %squeeze3A, %add3A_66 : i32
      %gt3A = arith.constant 0 : i32
      %gt3A_73 = arith.cmpi sgt, %sub3A_72, %gt3A : i32
      %convert_element_type3A_74 = arith.extui %gt3A_73 : i1 to i32
      %cond3A_75 = arith.constant 0 : i32
      %cond3A_76 = arith.cmpi ne, %convert_element_type3A_74, %cond3A_75 : i32
      scf.if %cond3A_76 {
        "tpu.region"() ({
          %run_scoped3A = tpu.sem_alloc : memref<!tpu.dma_semaphore, #tpu.memory_space<semaphore_mem>>
          %dma_start3A_445 = tpu.memref_slice %arg13[%add3A_66, %add3A] : memref<2048x16xi32, #tpu.memory_space<vmem_shared>> -> memref<128x1xi32, #tpu.memory_space<vmem_shared>>
          %dma_start3A_446 = tpu.memref_slice %arg13[%add3A_66, %add3A] : memref<2048x16xi32, #tpu.memory_space<vmem_shared>> -> memref<128x1xi32, #tpu.memory_space<vmem_shared>>
          tpu.enqueue_dma source(%dma_start3A_446 : memref<128x1xi32, #tpu.memory_space<vmem_shared>>) target(%arg10 : memref<128x1xi32, #tpu.memory_space<vmem>>) target_semaphore(%run_scoped3A : memref<!tpu.dma_semaphore, #tpu.memory_space<semaphore_mem>>)
          %dma_wait3A_447 = tpu.memref_slice %arg13[%add3A_66, %add3A] : memref<2048x16xi32, #tpu.memory_space<vmem_shared>> -> memref<128x1xi32, #tpu.memory_space<vmem_shared>>
          %dma_wait3A_448 = tpu.memref_slice %arg13[%add3A_66, %add3A] : memref<2048x16xi32, #tpu.memory_space<vmem_shared>> -> memref<128x1xi32, #tpu.memory_space<vmem_shared>>
          tpu.wait_dma2 semaphore(%run_scoped3A : memref<!tpu.dma_semaphore, #tpu.memory_space<semaphore_mem>>) src(%dma_wait3A_448 : memref<128x1xi32, #tpu.memory_space<vmem_shared>>) dst(%arg10 : memref<128x1xi32, #tpu.memory_space<vmem>>)
          tpu.yield
        }) : () -> ()
        %mul3A_81 = arith.constant 512 : i32
        %mul3A_82 = arith.muli %add3A, %mul3A_81 : i32
        %mul3A_83 = arith.constant 2 : i32
        %mul3A_84 = arith.muli %mul3A_82, %mul3A_83 : i32
        %broadcast_in_dim3A_85 = vector.broadcast %mul3A_84 : i32 to vector<16xi32>
        %broadcast_in_dim3A_86 = arith.constant 0 : i32
        %broadcast_in_dim3A_87 = vector.broadcast %broadcast_in_dim3A_86 : i32 to vector<16xi32>
        %add3A_88 = arith.addi %broadcast_in_dim3A_87, %and3A_54 : vector<16xi32>
        %gather3A = tpu.vector_load_idx %arg10[%add3A_88, %broadcast_in_dim3A_0] : memref<128x1xi32, #tpu.memory_space<vmem>>[vector<16xi32>, vector<16xi32>], vector<16xi32>,
        %shift_right_arithmetic3A = arith.constant 3 : i32
        %shift_right_arithmetic3A_89 = vector.broadcast %shift_right_arithmetic3A : i32 to vector<16xi32>
        %shift_right_arithmetic3A_90 = arith.shrsi %gather3A, %shift_right_arithmetic3A_89 : vector<16xi32>
        %shift_left3A = arith.constant 4 : i32
        %shift_left3A_91 = vector.broadcast %shift_left3A : i32 to vector<16xi32>
        %shift_left3A_92 = arith.shli %shift_right_arithmetic3A_90, %shift_left3A_91 : vector<16xi32>
        %add3A_93 = arith.addi %broadcast_in_dim3A_85, %shift_left3A_92 : vector<16xi32>
        %and3A_94 = arith.constant 7 : i32
        %and3A_95 = vector.broadcast %and3A_94 : i32 to vector<16xi32>
        %and3A_96 = arith.andi %gather3A, %and3A_95 : vector<16xi32>
        %add3A_97 = arith.addi %add3A_93, %and3A_96 : vector<16xi32>
        %add3A_98 = arith.addi %add3A_97, %and3A_57 : vector<16xi32>
        %swap3A = arith.constant 0 : i32
        %swap3A_99 = arith.index_cast %swap3A : i32 to index
        %swap3A_100 = arith.constant 0 : index
        %swap3A_101 = tpu.vector_load %arg11[%swap3A_99, %swap3A_100] {strides = array<i32>} : memref<2x128xi32, #tpu.memory_space<vmem>>, vector<16xi32>,
        tpu.vector_store %arg11[%swap3A_99, %swap3A_100], %add3A_98 {strides = array<i32>} : memref<2x128xi32, #tpu.memory_space<vmem>>, vector<16xi32>,
        %broadcast_in_dim3A_102 = arith.constant 8 : i32
        %broadcast_in_dim3A_103 = vector.broadcast %broadcast_in_dim3A_102 : i32 to vector<16xi32>
        %add3A_104 = arith.addi %broadcast_in_dim3A_103, %and3A_54 : vector<16xi32>
        %gather3A_105 = tpu.vector_load_idx %arg10[%add3A_104, %broadcast_in_dim3A_0] : memref<128x1xi32, #tpu.memory_space<vmem>>[vector<16xi32>, vector<16xi32>], vector<16xi32>,
        %shift_right_arithmetic3A_106 = arith.constant 3 : i32
        %shift_right_arithmetic3A_107 = vector.broadcast %shift_right_arithmetic3A_106 : i32 to vector<16xi32>
        %shift_right_arithmetic3A_108 = arith.shrsi %gather3A_105, %shift_right_arithmetic3A_107 : vector<16xi32>
        %shift_left3A_109 = arith.constant 4 : i32
        %shift_left3A_110 = vector.broadcast %shift_left3A_109 : i32 to vector<16xi32>
        %shift_left3A_111 = arith.shli %shift_right_arithmetic3A_108, %shift_left3A_110 : vector<16xi32>
        %add3A_112 = arith.addi %broadcast_in_dim3A_85, %shift_left3A_111 : vector<16xi32>
        %and3A_113 = arith.constant 7 : i32
        %and3A_114 = vector.broadcast %and3A_113 : i32 to vector<16xi32>
        %and3A_115 = arith.andi %gather3A_105, %and3A_114 : vector<16xi32>
        %add3A_116 = arith.addi %add3A_112, %and3A_115 : vector<16xi32>
        %add3A_117 = arith.addi %add3A_116, %and3A_57 : vector<16xi32>
        %swap3A_118 = arith.constant 0 : i32
        %swap3A_119 = arith.index_cast %swap3A_118 : i32 to index
        %swap3A_120 = arith.constant 16 : index
        %swap3A_121 = tpu.vector_load %arg11[%swap3A_119, %swap3A_120] {strides = array<i32>} : memref<2x128xi32, #tpu.memory_space<vmem>>, vector<16xi32>,
        tpu.vector_store %arg11[%swap3A_119, %swap3A_120], %add3A_117 {strides = array<i32>} : memref<2x128xi32, #tpu.memory_space<vmem>>, vector<16xi32>,
        %broadcast_in_dim3A_122 = arith.constant 16 : i32
        %broadcast_in_dim3A_123 = vector.broadcast %broadcast_in_dim3A_122 : i32 to vector<16xi32>
        %add3A_124 = arith.addi %broadcast_in_dim3A_123, %and3A_54 : vector<16xi32>
        %gather3A_125 = tpu.vector_load_idx %arg10[%add3A_124, %broadcast_in_dim3A_0] : memref<128x1xi32, #tpu.memory_space<vmem>>[vector<16xi32>, vector<16xi32>], vector<16xi32>,
        %shift_right_arithmetic3A_126 = arith.constant 3 : i32
        %shift_right_arithmetic3A_127 = vector.broadcast %shift_right_arithmetic3A_126 : i32 to vector<16xi32>
        %shift_right_arithmetic3A_128 = arith.shrsi %gather3A_125, %shift_right_arithmetic3A_127 : vector<16xi32>
        %shift_left3A_129 = arith.constant 4 : i32
        %shift_left3A_130 = vector.broadcast %shift_left3A_129 : i32 to vector<16xi32>
        %shift_left3A_131 = arith.shli %shift_right_arithmetic3A_128, %shift_left3A_130 : vector<16xi32>
        %add3A_132 = arith.addi %broadcast_in_dim3A_85, %shift_left3A_131 : vector<16xi32>
        %and3A_133 = arith.constant 7 : i32
        %and3A_134 = vector.broadcast %and3A_133 : i32 to vector<16xi32>
        %and3A_135 = arith.andi %gather3A_125, %and3A_134 : vector<16xi32>
        %add3A_136 = arith.addi %add3A_132, %and3A_135 : vector<16xi32>
        %add3A_137 = arith.addi %add3A_136, %and3A_57 : vector<16xi32>
        %swap3A_138 = arith.constant 0 : i32
        %swap3A_139 = arith.index_cast %swap3A_138 : i32 to index
        %swap3A_140 = arith.constant 32 : index
        %swap3A_141 = tpu.vector_load %arg11[%swap3A_139, %swap3A_140] {strides = array<i32>} : memref<2x128xi32, #tpu.memory_space<vmem>>, vector<16xi32>,
        tpu.vector_store %arg11[%swap3A_139, %swap3A_140], %add3A_137 {strides = array<i32>} : memref<2x128xi32, #tpu.memory_space<vmem>>, vector<16xi32>,
        %broadcast_in_dim3A_142 = arith.constant 24 : i32
        %broadcast_in_dim3A_143 = vector.broadcast %broadcast_in_dim3A_142 : i32 to vector<16xi32>
        %add3A_144 = arith.addi %broadcast_in_dim3A_143, %and3A_54 : vector<16xi32>
        %gather3A_145 = tpu.vector_load_idx %arg10[%add3A_144, %broadcast_in_dim3A_0] : memref<128x1xi32, #tpu.memory_space<vmem>>[vector<16xi32>, vector<16xi32>], vector<16xi32>,
        %shift_right_arithmetic3A_146 = arith.constant 3 : i32
        %shift_right_arithmetic3A_147 = vector.broadcast %shift_right_arithmetic3A_146 : i32 to vector<16xi32>
        %shift_right_arithmetic3A_148 = arith.shrsi %gather3A_145, %shift_right_arithmetic3A_147 : vector<16xi32>
        %shift_left3A_149 = arith.constant 4 : i32
        %shift_left3A_150 = vector.broadcast %shift_left3A_149 : i32 to vector<16xi32>
        %shift_left3A_151 = arith.shli %shift_right_arithmetic3A_148, %shift_left3A_150 : vector<16xi32>
        %add3A_152 = arith.addi %broadcast_in_dim3A_85, %shift_left3A_151 : vector<16xi32>
        %and3A_153 = arith.constant 7 : i32
        %and3A_154 = vector.broadcast %and3A_153 : i32 to vector<16xi32>
        %and3A_155 = arith.andi %gather3A_145, %and3A_154 : vector<16xi32>
        %add3A_156 = arith.addi %add3A_152, %and3A_155 : vector<16xi32>
        %add3A_157 = arith.addi %add3A_156, %and3A_57 : vector<16xi32>
        %swap3A_158 = arith.constant 0 : i32
        %swap3A_159 = arith.index_cast %swap3A_158 : i32 to index
        %swap3A_160 = arith.constant 48 : index
        %swap3A_161 = tpu.vector_load %arg11[%swap3A_159, %swap3A_160] {strides = array<i32>} : memref<2x128xi32, #tpu.memory_space<vmem>>, vector<16xi32>,
        tpu.vector_store %arg11[%swap3A_159, %swap3A_160], %add3A_157 {strides = array<i32>} : memref<2x128xi32, #tpu.memory_space<vmem>>, vector<16xi32>,
        %broadcast_in_dim3A_162 = arith.constant 32 : i32
        %broadcast_in_dim3A_163 = vector.broadcast %broadcast_in_dim3A_162 : i32 to vector<16xi32>
        %add3A_164 = arith.addi %broadcast_in_dim3A_163, %and3A_54 : vector<16xi32>
        %gather3A_165 = tpu.vector_load_idx %arg10[%add3A_164, %broadcast_in_dim3A_0] : memref<128x1xi32, #tpu.memory_space<vmem>>[vector<16xi32>, vector<16xi32>], vector<16xi32>,
        %shift_right_arithmetic3A_166 = arith.constant 3 : i32
        %shift_right_arithmetic3A_167 = vector.broadcast %shift_right_arithmetic3A_166 : i32 to vector<16xi32>
        %shift_right_arithmetic3A_168 = arith.shrsi %gather3A_165, %shift_right_arithmetic3A_167 : vector<16xi32>
        %shift_left3A_169 = arith.constant 4 : i32
        %shift_left3A_170 = vector.broadcast %shift_left3A_169 : i32 to vector<16xi32>
        %shift_left3A_171 = arith.shli %shift_right_arithmetic3A_168, %shift_left3A_170 : vector<16xi32>
        %add3A_172 = arith.addi %broadcast_in_dim3A_85, %shift_left3A_171 : vector<16xi32>
        %and3A_173 = arith.constant 7 : i32
        %and3A_174 = vector.broadcast %and3A_173 : i32 to vector<16xi32>
        %and3A_175 = arith.andi %gather3A_165, %and3A_174 : vector<16xi32>
        %add3A_176 = arith.addi %add3A_172, %and3A_175 : vector<16xi32>
        %add3A_177 = arith.addi %add3A_176, %and3A_57 : vector<16xi32>
        %swap3A_178 = arith.constant 0 : i32
        %swap3A_179 = arith.index_cast %swap3A_178 : i32 to index
        %swap3A_180 = arith.constant 64 : index
        %swap3A_181 = tpu.vector_load %arg11[%swap3A_179, %swap3A_180] {strides = array<i32>} : memref<2x128xi32, #tpu.memory_space<vmem>>, vector<16xi32>,
        tpu.vector_store %arg11[%swap3A_179, %swap3A_180], %add3A_177 {strides = array<i32>} : memref<2x128xi32, #tpu.memory_space<vmem>>, vector<16xi32>,
        %broadcast_in_dim3A_182 = arith.constant 40 : i32
        %broadcast_in_dim3A_183 = vector.broadcast %broadcast_in_dim3A_182 : i32 to vector<16xi32>
        %add3A_184 = arith.addi %broadcast_in_dim3A_183, %and3A_54 : vector<16xi32>
        %gather3A_185 = tpu.vector_load_idx %arg10[%add3A_184, %broadcast_in_dim3A_0] : memref<128x1xi32, #tpu.memory_space<vmem>>[vector<16xi32>, vector<16xi32>], vector<16xi32>,
        %shift_right_arithmetic3A_186 = arith.constant 3 : i32
        %shift_right_arithmetic3A_187 = vector.broadcast %shift_right_arithmetic3A_186 : i32 to vector<16xi32>
        %shift_right_arithmetic3A_188 = arith.shrsi %gather3A_185, %shift_right_arithmetic3A_187 : vector<16xi32>
        %shift_left3A_189 = arith.constant 4 : i32
        %shift_left3A_190 = vector.broadcast %shift_left3A_189 : i32 to vector<16xi32>
        %shift_left3A_191 = arith.shli %shift_right_arithmetic3A_188, %shift_left3A_190 : vector<16xi32>
        %add3A_192 = arith.addi %broadcast_in_dim3A_85, %shift_left3A_191 : vector<16xi32>
        %and3A_193 = arith.constant 7 : i32
        %and3A_194 = vector.broadcast %and3A_193 : i32 to vector<16xi32>
        %and3A_195 = arith.andi %gather3A_185, %and3A_194 : vector<16xi32>
        %add3A_196 = arith.addi %add3A_192, %and3A_195 : vector<16xi32>
        %add3A_197 = arith.addi %add3A_196, %and3A_57 : vector<16xi32>
        %swap3A_198 = arith.constant 0 : i32
        %swap3A_199 = arith.index_cast %swap3A_198 : i32 to index
        %swap3A_200 = arith.constant 80 : index
        %swap3A_201 = tpu.vector_load %arg11[%swap3A_199, %swap3A_200] {strides = array<i32>} : memref<2x128xi32, #tpu.memory_space<vmem>>, vector<16xi32>,
        tpu.vector_store %arg11[%swap3A_199, %swap3A_200], %add3A_197 {strides = array<i32>} : memref<2x128xi32, #tpu.memory_space<vmem>>, vector<16xi32>,
        %broadcast_in_dim3A_202 = arith.constant 48 : i32
        %broadcast_in_dim3A_203 = vector.broadcast %broadcast_in_dim3A_202 : i32 to vector<16xi32>
        %add3A_204 = arith.addi %broadcast_in_dim3A_203, %and3A_54 : vector<16xi32>
        %gather3A_205 = tpu.vector_load_idx %arg10[%add3A_204, %broadcast_in_dim3A_0] : memref<128x1xi32, #tpu.memory_space<vmem>>[vector<16xi32>, vector<16xi32>], vector<16xi32>,
        %shift_right_arithmetic3A_206 = arith.constant 3 : i32
        %shift_right_arithmetic3A_207 = vector.broadcast %shift_right_arithmetic3A_206 : i32 to vector<16xi32>
        %shift_right_arithmetic3A_208 = arith.shrsi %gather3A_205, %shift_right_arithmetic3A_207 : vector<16xi32>
        %shift_left3A_209 = arith.constant 4 : i32
        %shift_left3A_210 = vector.broadcast %shift_left3A_209 : i32 to vector<16xi32>
        %shift_left3A_211 = arith.shli %shift_right_arithmetic3A_208, %shift_left3A_210 : vector<16xi32>
        %add3A_212 = arith.addi %broadcast_in_dim3A_85, %shift_left3A_211 : vector<16xi32>
        %and3A_213 = arith.constant 7 : i32
        %and3A_214 = vector.broadcast %and3A_213 : i32 to vector<16xi32>
        %and3A_215 = arith.andi %gather3A_205, %and3A_214 : vector<16xi32>
        %add3A_216 = arith.addi %add3A_212, %and3A_215 : vector<16xi32>
        %add3A_217 = arith.addi %add3A_216, %and3A_57 : vector<16xi32>
        %swap3A_218 = arith.constant 0 : i32
        %swap3A_219 = arith.index_cast %swap3A_218 : i32 to index
        %swap3A_220 = arith.constant 96 : index
        %swap3A_221 = tpu.vector_load %arg11[%swap3A_219, %swap3A_220] {strides = array<i32>} : memref<2x128xi32, #tpu.memory_space<vmem>>, vector<16xi32>,
        tpu.vector_store %arg11[%swap3A_219, %swap3A_220], %add3A_217 {strides = array<i32>} : memref<2x128xi32, #tpu.memory_space<vmem>>, vector<16xi32>,
        %broadcast_in_dim3A_222 = arith.constant 56 : i32
        %broadcast_in_dim3A_223 = vector.broadcast %broadcast_in_dim3A_222 : i32 to vector<16xi32>
        %add3A_224 = arith.addi %broadcast_in_dim3A_223, %and3A_54 : vector<16xi32>
        %gather3A_225 = tpu.vector_load_idx %arg10[%add3A_224, %broadcast_in_dim3A_0] : memref<128x1xi32, #tpu.memory_space<vmem>>[vector<16xi32>, vector<16xi32>], vector<16xi32>,
        %shift_right_arithmetic3A_226 = arith.constant 3 : i32
        %shift_right_arithmetic3A_227 = vector.broadcast %shift_right_arithmetic3A_226 : i32 to vector<16xi32>
        %shift_right_arithmetic3A_228 = arith.shrsi %gather3A_225, %shift_right_arithmetic3A_227 : vector<16xi32>
        %shift_left3A_229 = arith.constant 4 : i32
        %shift_left3A_230 = vector.broadcast %shift_left3A_229 : i32 to vector<16xi32>
        %shift_left3A_231 = arith.shli %shift_right_arithmetic3A_228, %shift_left3A_230 : vector<16xi32>
        %add3A_232 = arith.addi %broadcast_in_dim3A_85, %shift_left3A_231 : vector<16xi32>
        %and3A_233 = arith.constant 7 : i32
        %and3A_234 = vector.broadcast %and3A_233 : i32 to vector<16xi32>
        %and3A_235 = arith.andi %gather3A_225, %and3A_234 : vector<16xi32>
        %add3A_236 = arith.addi %add3A_232, %and3A_235 : vector<16xi32>
        %add3A_237 = arith.addi %add3A_236, %and3A_57 : vector<16xi32>
        %swap3A_238 = arith.constant 0 : i32
        %swap3A_239 = arith.index_cast %swap3A_238 : i32 to index
        %swap3A_240 = arith.constant 112 : index
        %swap3A_241 = tpu.vector_load %arg11[%swap3A_239, %swap3A_240] {strides = array<i32>} : memref<2x128xi32, #tpu.memory_space<vmem>>, vector<16xi32>,
        tpu.vector_store %arg11[%swap3A_239, %swap3A_240], %add3A_237 {strides = array<i32>} : memref<2x128xi32, #tpu.memory_space<vmem>>, vector<16xi32>,
        %broadcast_in_dim3A_242 = arith.constant 64 : i32
        %broadcast_in_dim3A_243 = vector.broadcast %broadcast_in_dim3A_242 : i32 to vector<16xi32>
        %add3A_244 = arith.addi %broadcast_in_dim3A_243, %and3A_54 : vector<16xi32>
        %gather3A_245 = tpu.vector_load_idx %arg10[%add3A_244, %broadcast_in_dim3A_0] : memref<128x1xi32, #tpu.memory_space<vmem>>[vector<16xi32>, vector<16xi32>], vector<16xi32>,
        %shift_right_arithmetic3A_246 = arith.constant 3 : i32
        %shift_right_arithmetic3A_247 = vector.broadcast %shift_right_arithmetic3A_246 : i32 to vector<16xi32>
        %shift_right_arithmetic3A_248 = arith.shrsi %gather3A_245, %shift_right_arithmetic3A_247 : vector<16xi32>
        %shift_left3A_249 = arith.constant 4 : i32
        %shift_left3A_250 = vector.broadcast %shift_left3A_249 : i32 to vector<16xi32>
        %shift_left3A_251 = arith.shli %shift_right_arithmetic3A_248, %shift_left3A_250 : vector<16xi32>
        %add3A_252 = arith.addi %broadcast_in_dim3A_85, %shift_left3A_251 : vector<16xi32>
        %and3A_253 = arith.constant 7 : i32
        %and3A_254 = vector.broadcast %and3A_253 : i32 to vector<16xi32>
        %and3A_255 = arith.andi %gather3A_245, %and3A_254 : vector<16xi32>
        %add3A_256 = arith.addi %add3A_252, %and3A_255 : vector<16xi32>
        %add3A_257 = arith.addi %add3A_256, %and3A_57 : vector<16xi32>
        %swap3A_258 = arith.constant 1 : i32
        %swap3A_259 = arith.index_cast %swap3A_258 : i32 to index
        %swap3A_260 = arith.constant 0 : index
        %swap3A_261 = tpu.vector_load %arg11[%swap3A_259, %swap3A_260] {strides = array<i32>} : memref<2x128xi32, #tpu.memory_space<vmem>>, vector<16xi32>,
        tpu.vector_store %arg11[%swap3A_259, %swap3A_260], %add3A_257 {strides = array<i32>} : memref<2x128xi32, #tpu.memory_space<vmem>>, vector<16xi32>,
        %broadcast_in_dim3A_262 = arith.constant 72 : i32
        %broadcast_in_dim3A_263 = vector.broadcast %broadcast_in_dim3A_262 : i32 to vector<16xi32>
        %add3A_264 = arith.addi %broadcast_in_dim3A_263, %and3A_54 : vector<16xi32>
        %gather3A_265 = tpu.vector_load_idx %arg10[%add3A_264, %broadcast_in_dim3A_0] : memref<128x1xi32, #tpu.memory_space<vmem>>[vector<16xi32>, vector<16xi32>], vector<16xi32>,
        %shift_right_arithmetic3A_266 = arith.constant 3 : i32
        %shift_right_arithmetic3A_267 = vector.broadcast %shift_right_arithmetic3A_266 : i32 to vector<16xi32>
        %shift_right_arithmetic3A_268 = arith.shrsi %gather3A_265, %shift_right_arithmetic3A_267 : vector<16xi32>
        %shift_left3A_269 = arith.constant 4 : i32
        %shift_left3A_270 = vector.broadcast %shift_left3A_269 : i32 to vector<16xi32>
        %shift_left3A_271 = arith.shli %shift_right_arithmetic3A_268, %shift_left3A_270 : vector<16xi32>
        %add3A_272 = arith.addi %broadcast_in_dim3A_85, %shift_left3A_271 : vector<16xi32>
        %and3A_273 = arith.constant 7 : i32
        %and3A_274 = vector.broadcast %and3A_273 : i32 to vector<16xi32>
        %and3A_275 = arith.andi %gather3A_265, %and3A_274 : vector<16xi32>
        %add3A_276 = arith.addi %add3A_272, %and3A_275 : vector<16xi32>
        %add3A_277 = arith.addi %add3A_276, %and3A_57 : vector<16xi32>
        %swap3A_278 = arith.constant 1 : i32
        %swap3A_279 = arith.index_cast %swap3A_278 : i32 to index
        %swap3A_280 = arith.constant 16 : index
        %swap3A_281 = tpu.vector_load %arg11[%swap3A_279, %swap3A_280] {strides = array<i32>} : memref<2x128xi32, #tpu.memory_space<vmem>>, vector<16xi32>,
        tpu.vector_store %arg11[%swap3A_279, %swap3A_280], %add3A_277 {strides = array<i32>} : memref<2x128xi32, #tpu.memory_space<vmem>>, vector<16xi32>,
        %broadcast_in_dim3A_282 = arith.constant 80 : i32
        %broadcast_in_dim3A_283 = vector.broadcast %broadcast_in_dim3A_282 : i32 to vector<16xi32>
        %add3A_284 = arith.addi %broadcast_in_dim3A_283, %and3A_54 : vector<16xi32>
        %gather3A_285 = tpu.vector_load_idx %arg10[%add3A_284, %broadcast_in_dim3A_0] : memref<128x1xi32, #tpu.memory_space<vmem>>[vector<16xi32>, vector<16xi32>], vector<16xi32>,
        %shift_right_arithmetic3A_286 = arith.constant 3 : i32
        %shift_right_arithmetic3A_287 = vector.broadcast %shift_right_arithmetic3A_286 : i32 to vector<16xi32>
        %shift_right_arithmetic3A_288 = arith.shrsi %gather3A_285, %shift_right_arithmetic3A_287 : vector<16xi32>
        %shift_left3A_289 = arith.constant 4 : i32
        %shift_left3A_290 = vector.broadcast %shift_left3A_289 : i32 to vector<16xi32>
        %shift_left3A_291 = arith.shli %shift_right_arithmetic3A_288, %shift_left3A_290 : vector<16xi32>
        %add3A_292 = arith.addi %broadcast_in_dim3A_85, %shift_left3A_291 : vector<16xi32>
        %and3A_293 = arith.constant 7 : i32
        %and3A_294 = vector.broadcast %and3A_293 : i32 to vector<16xi32>
        %and3A_295 = arith.andi %gather3A_285, %and3A_294 : vector<16xi32>
        %add3A_296 = arith.addi %add3A_292, %and3A_295 : vector<16xi32>
        %add3A_297 = arith.addi %add3A_296, %and3A_57 : vector<16xi32>
        %swap3A_298 = arith.constant 1 : i32
        %swap3A_299 = arith.index_cast %swap3A_298 : i32 to index
        %swap3A_300 = arith.constant 32 : index
        %swap3A_301 = tpu.vector_load %arg11[%swap3A_299, %swap3A_300] {strides = array<i32>} : memref<2x128xi32, #tpu.memory_space<vmem>>, vector<16xi32>,
        tpu.vector_store %arg11[%swap3A_299, %swap3A_300], %add3A_297 {strides = array<i32>} : memref<2x128xi32, #tpu.memory_space<vmem>>, vector<16xi32>,
        %broadcast_in_dim3A_302 = arith.constant 88 : i32
        %broadcast_in_dim3A_303 = vector.broadcast %broadcast_in_dim3A_302 : i32 to vector<16xi32>
        %add3A_304 = arith.addi %broadcast_in_dim3A_303, %and3A_54 : vector<16xi32>
        %gather3A_305 = tpu.vector_load_idx %arg10[%add3A_304, %broadcast_in_dim3A_0] : memref<128x1xi32, #tpu.memory_space<vmem>>[vector<16xi32>, vector<16xi32>], vector<16xi32>,
        %shift_right_arithmetic3A_306 = arith.constant 3 : i32
        %shift_right_arithmetic3A_307 = vector.broadcast %shift_right_arithmetic3A_306 : i32 to vector<16xi32>
        %shift_right_arithmetic3A_308 = arith.shrsi %gather3A_305, %shift_right_arithmetic3A_307 : vector<16xi32>
        %shift_left3A_309 = arith.constant 4 : i32
        %shift_left3A_310 = vector.broadcast %shift_left3A_309 : i32 to vector<16xi32>
        %shift_left3A_311 = arith.shli %shift_right_arithmetic3A_308, %shift_left3A_310 : vector<16xi32>
        %add3A_312 = arith.addi %broadcast_in_dim3A_85, %shift_left3A_311 : vector<16xi32>
        %and3A_313 = arith.constant 7 : i32
        %and3A_314 = vector.broadcast %and3A_313 : i32 to vector<16xi32>
        %and3A_315 = arith.andi %gather3A_305, %and3A_314 : vector<16xi32>
        %add3A_316 = arith.addi %add3A_312, %and3A_315 : vector<16xi32>
        %add3A_317 = arith.addi %add3A_316, %and3A_57 : vector<16xi32>
        %swap3A_318 = arith.constant 1 : i32
        %swap3A_319 = arith.index_cast %swap3A_318 : i32 to index
        %swap3A_320 = arith.constant 48 : index
        %swap3A_321 = tpu.vector_load %arg11[%swap3A_319, %swap3A_320] {strides = array<i32>} : memref<2x128xi32, #tpu.memory_space<vmem>>, vector<16xi32>,
        tpu.vector_store %arg11[%swap3A_319, %swap3A_320], %add3A_317 {strides = array<i32>} : memref<2x128xi32, #tpu.memory_space<vmem>>, vector<16xi32>,
        %broadcast_in_dim3A_322 = arith.constant 96 : i32
        %broadcast_in_dim3A_323 = vector.broadcast %broadcast_in_dim3A_322 : i32 to vector<16xi32>
        %add3A_324 = arith.addi %broadcast_in_dim3A_323, %and3A_54 : vector<16xi32>
        %gather3A_325 = tpu.vector_load_idx %arg10[%add3A_324, %broadcast_in_dim3A_0] : memref<128x1xi32, #tpu.memory_space<vmem>>[vector<16xi32>, vector<16xi32>], vector<16xi32>,
        %shift_right_arithmetic3A_326 = arith.constant 3 : i32
        %shift_right_arithmetic3A_327 = vector.broadcast %shift_right_arithmetic3A_326 : i32 to vector<16xi32>
        %shift_right_arithmetic3A_328 = arith.shrsi %gather3A_325, %shift_right_arithmetic3A_327 : vector<16xi32>
        %shift_left3A_329 = arith.constant 4 : i32
        %shift_left3A_330 = vector.broadcast %shift_left3A_329 : i32 to vector<16xi32>
        %shift_left3A_331 = arith.shli %shift_right_arithmetic3A_328, %shift_left3A_330 : vector<16xi32>
        %add3A_332 = arith.addi %broadcast_in_dim3A_85, %shift_left3A_331 : vector<16xi32>
        %and3A_333 = arith.constant 7 : i32
        %and3A_334 = vector.broadcast %and3A_333 : i32 to vector<16xi32>
        %and3A_335 = arith.andi %gather3A_325, %and3A_334 : vector<16xi32>
        %add3A_336 = arith.addi %add3A_332, %and3A_335 : vector<16xi32>
        %add3A_337 = arith.addi %add3A_336, %and3A_57 : vector<16xi32>
        %swap3A_338 = arith.constant 1 : i32
        %swap3A_339 = arith.index_cast %swap3A_338 : i32 to index
        %swap3A_340 = arith.constant 64 : index
        %swap3A_341 = tpu.vector_load %arg11[%swap3A_339, %swap3A_340] {strides = array<i32>} : memref<2x128xi32, #tpu.memory_space<vmem>>, vector<16xi32>,
        tpu.vector_store %arg11[%swap3A_339, %swap3A_340], %add3A_337 {strides = array<i32>} : memref<2x128xi32, #tpu.memory_space<vmem>>, vector<16xi32>,
        %broadcast_in_dim3A_342 = arith.constant 104 : i32
        %broadcast_in_dim3A_343 = vector.broadcast %broadcast_in_dim3A_342 : i32 to vector<16xi32>
        %add3A_344 = arith.addi %broadcast_in_dim3A_343, %and3A_54 : vector<16xi32>
        %gather3A_345 = tpu.vector_load_idx %arg10[%add3A_344, %broadcast_in_dim3A_0] : memref<128x1xi32, #tpu.memory_space<vmem>>[vector<16xi32>, vector<16xi32>], vector<16xi32>,
        %shift_right_arithmetic3A_346 = arith.constant 3 : i32
        %shift_right_arithmetic3A_347 = vector.broadcast %shift_right_arithmetic3A_346 : i32 to vector<16xi32>
        %shift_right_arithmetic3A_348 = arith.shrsi %gather3A_345, %shift_right_arithmetic3A_347 : vector<16xi32>
        %shift_left3A_349 = arith.constant 4 : i32
        %shift_left3A_350 = vector.broadcast %shift_left3A_349 : i32 to vector<16xi32>
        %shift_left3A_351 = arith.shli %shift_right_arithmetic3A_348, %shift_left3A_350 : vector<16xi32>
        %add3A_352 = arith.addi %broadcast_in_dim3A_85, %shift_left3A_351 : vector<16xi32>
        %and3A_353 = arith.constant 7 : i32
        %and3A_354 = vector.broadcast %and3A_353 : i32 to vector<16xi32>
        %and3A_355 = arith.andi %gather3A_345, %and3A_354 : vector<16xi32>
        %add3A_356 = arith.addi %add3A_352, %and3A_355 : vector<16xi32>
        %add3A_357 = arith.addi %add3A_356, %and3A_57 : vector<16xi32>
        %swap3A_358 = arith.constant 1 : i32
        %swap3A_359 = arith.index_cast %swap3A_358 : i32 to index
        %swap3A_360 = arith.constant 80 : index
        %swap3A_361 = tpu.vector_load %arg11[%swap3A_359, %swap3A_360] {strides = array<i32>} : memref<2x128xi32, #tpu.memory_space<vmem>>, vector<16xi32>,
        tpu.vector_store %arg11[%swap3A_359, %swap3A_360], %add3A_357 {strides = array<i32>} : memref<2x128xi32, #tpu.memory_space<vmem>>, vector<16xi32>,
        %broadcast_in_dim3A_362 = arith.constant 112 : i32
        %broadcast_in_dim3A_363 = vector.broadcast %broadcast_in_dim3A_362 : i32 to vector<16xi32>
        %add3A_364 = arith.addi %broadcast_in_dim3A_363, %and3A_54 : vector<16xi32>
        %gather3A_365 = tpu.vector_load_idx %arg10[%add3A_364, %broadcast_in_dim3A_0] : memref<128x1xi32, #tpu.memory_space<vmem>>[vector<16xi32>, vector<16xi32>], vector<16xi32>,
        %shift_right_arithmetic3A_366 = arith.constant 3 : i32
        %shift_right_arithmetic3A_367 = vector.broadcast %shift_right_arithmetic3A_366 : i32 to vector<16xi32>
        %shift_right_arithmetic3A_368 = arith.shrsi %gather3A_365, %shift_right_arithmetic3A_367 : vector<16xi32>
        %shift_left3A_369 = arith.constant 4 : i32
        %shift_left3A_370 = vector.broadcast %shift_left3A_369 : i32 to vector<16xi32>
        %shift_left3A_371 = arith.shli %shift_right_arithmetic3A_368, %shift_left3A_370 : vector<16xi32>
        %add3A_372 = arith.addi %broadcast_in_dim3A_85, %shift_left3A_371 : vector<16xi32>
        %and3A_373 = arith.constant 7 : i32
        %and3A_374 = vector.broadcast %and3A_373 : i32 to vector<16xi32>
        %and3A_375 = arith.andi %gather3A_365, %and3A_374 : vector<16xi32>
        %add3A_376 = arith.addi %add3A_372, %and3A_375 : vector<16xi32>
        %add3A_377 = arith.addi %add3A_376, %and3A_57 : vector<16xi32>
        %swap3A_378 = arith.constant 1 : i32
        %swap3A_379 = arith.index_cast %swap3A_378 : i32 to index
        %swap3A_380 = arith.constant 96 : index
        %swap3A_381 = tpu.vector_load %arg11[%swap3A_379, %swap3A_380] {strides = array<i32>} : memref<2x128xi32, #tpu.memory_space<vmem>>, vector<16xi32>,
        tpu.vector_store %arg11[%swap3A_379, %swap3A_380], %add3A_377 {strides = array<i32>} : memref<2x128xi32, #tpu.memory_space<vmem>>, vector<16xi32>,
        %broadcast_in_dim3A_382 = arith.constant 120 : i32
        %broadcast_in_dim3A_383 = vector.broadcast %broadcast_in_dim3A_382 : i32 to vector<16xi32>
        %add3A_384 = arith.addi %broadcast_in_dim3A_383, %and3A_54 : vector<16xi32>
        %gather3A_385 = tpu.vector_load_idx %arg10[%add3A_384, %broadcast_in_dim3A_0] : memref<128x1xi32, #tpu.memory_space<vmem>>[vector<16xi32>, vector<16xi32>], vector<16xi32>,
        %shift_right_arithmetic3A_386 = arith.constant 3 : i32
        %shift_right_arithmetic3A_387 = vector.broadcast %shift_right_arithmetic3A_386 : i32 to vector<16xi32>
        %shift_right_arithmetic3A_388 = arith.shrsi %gather3A_385, %shift_right_arithmetic3A_387 : vector<16xi32>
        %shift_left3A_389 = arith.constant 4 : i32
        %shift_left3A_390 = vector.broadcast %shift_left3A_389 : i32 to vector<16xi32>
        %shift_left3A_391 = arith.shli %shift_right_arithmetic3A_388, %shift_left3A_390 : vector<16xi32>
        %add3A_392 = arith.addi %broadcast_in_dim3A_85, %shift_left3A_391 : vector<16xi32>
        %and3A_393 = arith.constant 7 : i32
        %and3A_394 = vector.broadcast %and3A_393 : i32 to vector<16xi32>
        %and3A_395 = arith.andi %gather3A_385, %and3A_394 : vector<16xi32>
        %add3A_396 = arith.addi %add3A_392, %and3A_395 : vector<16xi32>
        %add3A_397 = arith.addi %add3A_396, %and3A_57 : vector<16xi32>
        %swap3A_398 = arith.constant 1 : i32
        %swap3A_399 = arith.index_cast %swap3A_398 : i32 to index
        %swap3A_400 = arith.constant 112 : index
        %swap3A_401 = tpu.vector_load %arg11[%swap3A_399, %swap3A_400] {strides = array<i32>} : memref<2x128xi32, #tpu.memory_space<vmem>>, vector<16xi32>,
        tpu.vector_store %arg11[%swap3A_399, %swap3A_400], %add3A_397 {strides = array<i32>} : memref<2x128xi32, #tpu.memory_space<vmem>>, vector<16xi32>,
        %dma_start3A = arith.constant 0 : i32
        %dma_start3A_402 = arith.constant 0 : i32
        %dma_start3A_403 = arith.constant 0 : i32
        %dma_start3A_404 = tpu.memref_slice %arg12[%dma_start3A_402, %dma_start3A_403] : memref<256x128xf32, #tpu.memory_space<vmem>> -> memref<128x128xf32, #tpu.memory_space<vmem>>
        %dma_start3A_405 = arith.constant 0 : i32
        %dma_start3A_406 = tpu.memref_slice %arg11[%dma_start3A, %dma_start3A_405] : memref<2x128xi32, #tpu.memory_space<vmem>> -> memref<1x128xi32, #tpu.memory_space<vmem>>
        %dma_start3A_407 = tpu.memref_squeeze %dma_start3A_406 : memref<1x128xi32, #tpu.memory_space<vmem>> -> memref<128xi32, #tpu.memory_space<vmem>>
        %dma_start3A_408 = arith.constant 0 : i32
        %dma_start3A_409 = arith.constant 0 : i32
        %dma_start3A_410 = tpu.memref_slice %arg2[%dma_start3A_408, %dma_start3A_409] : memref<16384x128xf32, #tpu.memory_space<hbm>> -> memref<16384x128xf32, #tpu.memory_space<hbm>>
        tpu.enqueue_indirect_dma source(%dma_start3A_410 : memref<16384x128xf32, #tpu.memory_space<hbm>>) target(%dma_start3A_404 : memref<128x128xf32, #tpu.memory_space<vmem>>) offsets(%dma_start3A_407 : memref<128xi32, #tpu.memory_space<vmem>>) semaphore(%arg16 : memref<!tpu.dma_semaphore, #tpu.memory_space<semaphore_mem>>)
        %dma_start3A_411 = arith.constant 1 : i32
        %dma_start3A_412 = arith.constant 128 : i32
        %dma_start3A_413 = arith.constant 0 : i32
        %dma_start3A_414 = tpu.memref_slice %arg12[%dma_start3A_412, %dma_start3A_413] : memref<256x128xf32, #tpu.memory_space<vmem>> -> memref<128x128xf32, #tpu.memory_space<vmem>>
        %dma_start3A_415 = arith.constant 0 : i32
        %dma_start3A_416 = tpu.memref_slice %arg11[%dma_start3A_411, %dma_start3A_415] : memref<2x128xi32, #tpu.memory_space<vmem>> -> memref<1x128xi32, #tpu.memory_space<vmem>>
        %dma_start3A_417 = tpu.memref_squeeze %dma_start3A_416 : memref<1x128xi32, #tpu.memory_space<vmem>> -> memref<128xi32, #tpu.memory_space<vmem>>
        %dma_start3A_418 = arith.constant 0 : i32
        %dma_start3A_419 = arith.constant 0 : i32
        %dma_start3A_420 = tpu.memref_slice %arg2[%dma_start3A_418, %dma_start3A_419] : memref<16384x128xf32, #tpu.memory_space<hbm>> -> memref<16384x128xf32, #tpu.memory_space<hbm>>
        tpu.enqueue_indirect_dma source(%dma_start3A_420 : memref<16384x128xf32, #tpu.memory_space<hbm>>) target(%dma_start3A_414 : memref<128x128xf32, #tpu.memory_space<vmem>>) offsets(%dma_start3A_417 : memref<128xi32, #tpu.memory_space<vmem>>) semaphore(%arg16 : memref<!tpu.dma_semaphore, #tpu.memory_space<semaphore_mem>>)
        %dma_wait3A = arith.constant 0 : i32
        %dma_wait3A_421 = arith.constant 0 : i32
        %dma_wait3A_422 = arith.constant 0 : i32
        %dma_wait3A_423 = tpu.memref_slice %arg12[%dma_wait3A_421, %dma_wait3A_422] : memref<256x128xf32, #tpu.memory_space<vmem>> -> memref<128x128xf32, #tpu.memory_space<vmem>>
        %dma_wait3A_424 = arith.constant 0 : i32
        %dma_wait3A_425 = tpu.memref_slice %arg11[%dma_wait3A, %dma_wait3A_424] : memref<2x128xi32, #tpu.memory_space<vmem>> -> memref<1x128xi32, #tpu.memory_space<vmem>>
        %dma_wait3A_426 = tpu.memref_squeeze %dma_wait3A_425 : memref<1x128xi32, #tpu.memory_space<vmem>> -> memref<128xi32, #tpu.memory_space<vmem>>
        %dma_wait3A_427 = arith.constant 0 : i32
        %dma_wait3A_428 = arith.constant 0 : i32
        %dma_wait3A_429 = tpu.memref_slice %arg2[%dma_wait3A_427, %dma_wait3A_428] : memref<16384x128xf32, #tpu.memory_space<hbm>> -> memref<16384x128xf32, #tpu.memory_space<hbm>>
        tpu.wait_indirect_dma semaphore(%arg16 : memref<!tpu.dma_semaphore, #tpu.memory_space<semaphore_mem>>) src(%dma_wait3A_429 : memref<16384x128xf32, #tpu.memory_space<hbm>>) dst(%dma_wait3A_423 : memref<128x128xf32, #tpu.memory_space<vmem>>)
        %dma_wait3A_430 = arith.constant 1 : i32
        %dma_wait3A_431 = arith.constant 128 : i32
        %dma_wait3A_432 = arith.constant 0 : i32
        %dma_wait3A_433 = tpu.memref_slice %arg12[%dma_wait3A_431, %dma_wait3A_432] : memref<256x128xf32, #tpu.memory_space<vmem>> -> memref<128x128xf32, #tpu.memory_space<vmem>>
        %dma_wait3A_434 = arith.constant 0 : i32
        %dma_wait3A_435 = tpu.memref_slice %arg11[%dma_wait3A_430, %dma_wait3A_434] : memref<2x128xi32, #tpu.memory_space<vmem>> -> memref<1x128xi32, #tpu.memory_space<vmem>>
        %dma_wait3A_436 = tpu.memref_squeeze %dma_wait3A_435 : memref<1x128xi32, #tpu.memory_space<vmem>> -> memref<128xi32, #tpu.memory_space<vmem>>
        %dma_wait3A_437 = arith.constant 0 : i32
        %dma_wait3A_438 = arith.constant 0 : i32
        %dma_wait3A_439 = tpu.memref_slice %arg2[%dma_wait3A_437, %dma_wait3A_438] : memref<16384x128xf32, #tpu.memory_space<hbm>> -> memref<16384x128xf32, #tpu.memory_space<hbm>>
        tpu.wait_indirect_dma semaphore(%arg16 : memref<!tpu.dma_semaphore, #tpu.memory_space<semaphore_mem>>) src(%dma_wait3A_439 : memref<16384x128xf32, #tpu.memory_space<hbm>>) dst(%dma_wait3A_433 : memref<128x128xf32, #tpu.memory_space<vmem>>)
        %lt3A_440 = arith.constant 128 : i32
        %lt3A_441 = arith.cmpi slt, %sub3A_72, %lt3A_440 : i32
        %convert_element_type3A_442 = arith.extui %lt3A_441 : i1 to i32
        %cond3A_443 = arith.constant 0 : i32
        %cond3A_444 = arith.cmpi ne, %convert_element_type3A_442, %cond3A_443 : i32
        scf.if %cond3A_444 {
          %jit3A_445 = arith.constant 8 : i32
          %div3A_446 = arith.divsi %sub3A_72, %jit3A_445 : i32
          %sign3A_447 = arith.constant 0 : i32
          %sign3A_448 = arith.cmpi sgt, %sub3A_72, %sign3A_447 : i32
          %sign3A_449 = arith.extui %sign3A_448 : i1 to i32
          %sign3A_450 = arith.constant 0 : i32
          %sign3A_451 = arith.cmpi slt, %sub3A_72, %sign3A_450 : i32
          %sign3A_452 = arith.extui %sign3A_451 : i1 to i32
          %sign3A_453 = arith.subi %sign3A_449, %sign3A_452 : i32
          %sign3A_454 = arith.constant 0 : i32
          %sign3A_455 = arith.cmpi sgt, %jit3A_445, %sign3A_454 : i32
          %sign3A_456 = arith.extui %sign3A_455 : i1 to i32
          %sign3A_457 = arith.constant 0 : i32
          %sign3A_458 = arith.cmpi slt, %jit3A_445, %sign3A_457 : i32
          %sign3A_459 = arith.extui %sign3A_458 : i1 to i32
          %sign3A_460 = arith.subi %sign3A_456, %sign3A_459 : i32
          %ne3A_461 = arith.cmpi ne, %sign3A_453, %sign3A_460 : i32
          %rem3A_462 = arith.remsi %sub3A_72, %jit3A_445 : i32
          %ne3A_463 = arith.constant 0 : i32
          %ne3A_464 = arith.cmpi ne, %rem3A_462, %ne3A_463 : i32
          %and3A_465 = arith.andi %ne3A_461, %ne3A_464 : i1
          %sub3A_466 = arith.constant 1 : i32
          %sub3A_467 = arith.subi %div3A_446, %sub3A_466 : i32
          %select_n3A_468 = arith.select %and3A_465, %sub3A_467, %div3A_446 : i32
          %mul3A_469 = arith.constant 8 : i32
          %mul3A_470 = arith.muli %select_n3A_468, %mul3A_469 : i32
          %mul3A_471 = arith.constant 2 : i32
          %mul3A_472 = arith.muli %mul3A_470, %mul3A_471 : i32
          %while3A = arith.constant 0 : i32
          %while3A_473 = arith.constant 256 : i32
          %while3A_474 = arith.subi %while3A_473, %mul3A_472 : i32
          %while3A_475 = arith.addi %mul3A_472, %while3A_474 : i32
          %while3A_476 = arith.constant 1 : i32
          %while3A_477 = arith.divsi %while3A_474, %while3A_476 : i32
          %while3A_478 = arith.muli %while3A_477, %while3A_476 : i32
          %while3A_479 = arith.addi %mul3A_472, %while3A_478 : i32
          %while3A_480 = arith.constant 1 : i32
          scf.for %while3A_482 = %mul3A_472 to %while3A_479 step %while3A_480  : i32 {
            %jit3A_483 = arith.constant 16 : i32
            %div3A_484 = arith.divsi %while3A_482, %jit3A_483 : i32
            %sign3A_485 = arith.constant 0 : i32
            %sign3A_486 = arith.cmpi sgt, %while3A_482, %sign3A_485 : i32
            %sign3A_487 = arith.extui %sign3A_486 : i1 to i32
            %sign3A_488 = arith.constant 0 : i32
            %sign3A_489 = arith.cmpi slt, %while3A_482, %sign3A_488 : i32
            %sign3A_490 = arith.extui %sign3A_489 : i1 to i32
            %sign3A_491 = arith.subi %sign3A_487, %sign3A_490 : i32
            %sign3A_492 = arith.constant 0 : i32
            %sign3A_493 = arith.cmpi sgt, %jit3A_483, %sign3A_492 : i32
            %sign3A_494 = arith.extui %sign3A_493 : i1 to i32
            %sign3A_495 = arith.constant 0 : i32
            %sign3A_496 = arith.cmpi slt, %jit3A_483, %sign3A_495 : i32
            %sign3A_497 = arith.extui %sign3A_496 : i1 to i32
            %sign3A_498 = arith.subi %sign3A_494, %sign3A_497 : i32
            %ne3A_499 = arith.cmpi ne, %sign3A_491, %sign3A_498 : i32
            %rem3A_500 = arith.remsi %while3A_482, %jit3A_483 : i32
            %ne3A_501 = arith.constant 0 : i32
            %ne3A_502 = arith.cmpi ne, %rem3A_500, %ne3A_501 : i32
            %and3A_503 = arith.andi %ne3A_499, %ne3A_502 : i1
            %sub3A_504 = arith.constant 1 : i32
            %sub3A_505 = arith.subi %div3A_484, %sub3A_504 : i32
            %select_n3A_506 = arith.select %and3A_503, %sub3A_505, %div3A_484 : i32
            %mul3A_507 = arith.constant 8 : i32
            %mul3A_508 = arith.muli %select_n3A_506, %mul3A_507 : i32
            %jit3A_509 = arith.constant 8 : i32
            %eq3A_510 = arith.constant 0 : i32
            %eq3A_511 = arith.cmpi eq, %jit3A_509, %eq3A_510 : i32
            %jit3A_512 = arith.constant 1 : i32
            %select_n3A_513 = arith.select %eq3A_511, %jit3A_512, %jit3A_509 : i32
            %rem3A_514 = arith.remsi %while3A_482, %select_n3A_513 : i32
            %ne3A_515 = arith.constant 0 : i32
            %ne3A_516 = arith.cmpi ne, %rem3A_514, %ne3A_515 : i32
            %lt3A_517 = arith.constant 0 : i32
            %lt3A_518 = arith.cmpi slt, %rem3A_514, %lt3A_517 : i32
            %lt3A_519 = arith.constant 0 : i32
            %lt3A_520 = arith.cmpi slt, %select_n3A_513, %lt3A_519 : i32
            %ne3A_521 = arith.xori %lt3A_518, %lt3A_520 : i1
            %and3A_522 = arith.andi %ne3A_521, %ne3A_516 : i1
            %add3A_523 = arith.addi %rem3A_514, %select_n3A_513 : i32
            %select_n3A_524 = arith.select %and3A_522, %add3A_523, %rem3A_514 : i32
            %add3A_525 = arith.addi %mul3A_508, %select_n3A_524 : i32
            %ge3A = arith.cmpi sge, %add3A_525, %sub3A_72 : i32
            %convert_element_type3A_526 = arith.extui %ge3A : i1 to i32
            %cond3A_527 = arith.constant 0 : i32
            %cond3A_528 = arith.cmpi ne, %convert_element_type3A_526, %cond3A_527 : i32
            scf.if %cond3A_528 {
              %swap3A_529 = arith.index_cast %while3A_482 : i32 to index
              %swap3A_530 = arith.constant 0 : index
              %swap3A_531 = tpu.vector_load %arg12[%swap3A_529, %swap3A_530] {strides = array<i32>} : memref<256x128xf32, #tpu.memory_space<vmem>>, vector<16xf32>,
              tpu.vector_store %arg12[%swap3A_529, %swap3A_530], %broadcast_in_dim3A_8 {strides = array<i32>} : memref<256x128xf32, #tpu.memory_space<vmem>>, vector<16xf32>,
              %swap3A_532 = arith.index_cast %while3A_482 : i32 to index
              %swap3A_533 = arith.constant 16 : index
              %swap3A_534 = tpu.vector_load %arg12[%swap3A_532, %swap3A_533] {strides = array<i32>} : memref<256x128xf32, #tpu.memory_space<vmem>>, vector<16xf32>,
              tpu.vector_store %arg12[%swap3A_532, %swap3A_533], %broadcast_in_dim3A_8 {strides = array<i32>} : memref<256x128xf32, #tpu.memory_space<vmem>>, vector<16xf32>,
              %swap3A_535 = arith.index_cast %while3A_482 : i32 to index
              %swap3A_536 = arith.constant 32 : index
              %swap3A_537 = tpu.vector_load %arg12[%swap3A_535, %swap3A_536] {strides = array<i32>} : memref<256x128xf32, #tpu.memory_space<vmem>>, vector<16xf32>,
              tpu.vector_store %arg12[%swap3A_535, %swap3A_536], %broadcast_in_dim3A_8 {strides = array<i32>} : memref<256x128xf32, #tpu.memory_space<vmem>>, vector<16xf32>,
              %swap3A_538 = arith.index_cast %while3A_482 : i32 to index
              %swap3A_539 = arith.constant 48 : index
              %swap3A_540 = tpu.vector_load %arg12[%swap3A_538, %swap3A_539] {strides = array<i32>} : memref<256x128xf32, #tpu.memory_space<vmem>>, vector<16xf32>,
              tpu.vector_store %arg12[%swap3A_538, %swap3A_539], %broadcast_in_dim3A_8 {strides = array<i32>} : memref<256x128xf32, #tpu.memory_space<vmem>>, vector<16xf32>,
              %swap3A_541 = arith.index_cast %while3A_482 : i32 to index
              %swap3A_542 = arith.constant 64 : index
              %swap3A_543 = tpu.vector_load %arg12[%swap3A_541, %swap3A_542] {strides = array<i32>} : memref<256x128xf32, #tpu.memory_space<vmem>>, vector<16xf32>,
              tpu.vector_store %arg12[%swap3A_541, %swap3A_542], %broadcast_in_dim3A_8 {strides = array<i32>} : memref<256x128xf32, #tpu.memory_space<vmem>>, vector<16xf32>,
              %swap3A_544 = arith.index_cast %while3A_482 : i32 to index
              %swap3A_545 = arith.constant 80 : index
              %swap3A_546 = tpu.vector_load %arg12[%swap3A_544, %swap3A_545] {strides = array<i32>} : memref<256x128xf32, #tpu.memory_space<vmem>>, vector<16xf32>,
              tpu.vector_store %arg12[%swap3A_544, %swap3A_545], %broadcast_in_dim3A_8 {strides = array<i32>} : memref<256x128xf32, #tpu.memory_space<vmem>>, vector<16xf32>,
              %swap3A_547 = arith.index_cast %while3A_482 : i32 to index
              %swap3A_548 = arith.constant 96 : index
              %swap3A_549 = tpu.vector_load %arg12[%swap3A_547, %swap3A_548] {strides = array<i32>} : memref<256x128xf32, #tpu.memory_space<vmem>>, vector<16xf32>,
              tpu.vector_store %arg12[%swap3A_547, %swap3A_548], %broadcast_in_dim3A_8 {strides = array<i32>} : memref<256x128xf32, #tpu.memory_space<vmem>>, vector<16xf32>,
              %swap3A_550 = arith.index_cast %while3A_482 : i32 to index
              %swap3A_551 = arith.constant 112 : index
              %swap3A_552 = tpu.vector_load %arg12[%swap3A_550, %swap3A_551] {strides = array<i32>} : memref<256x128xf32, #tpu.memory_space<vmem>>, vector<16xf32>,
              tpu.vector_store %arg12[%swap3A_550, %swap3A_551], %broadcast_in_dim3A_8 {strides = array<i32>} : memref<256x128xf32, #tpu.memory_space<vmem>>, vector<16xf32>,
            } else {
            }
          }
          %while3A_481 = arith.constant 1 : i32
          scf.for %while3A_482 = %while3A_479 to %while3A_475 step %while3A_481  : i32 {
            %jit3A_483 = arith.constant 16 : i32
            %div3A_484 = arith.divsi %while3A_482, %jit3A_483 : i32
            %sign3A_485 = arith.constant 0 : i32
            %sign3A_486 = arith.cmpi sgt, %while3A_482, %sign3A_485 : i32
            %sign3A_487 = arith.extui %sign3A_486 : i1 to i32
            %sign3A_488 = arith.constant 0 : i32
            %sign3A_489 = arith.cmpi slt, %while3A_482, %sign3A_488 : i32
            %sign3A_490 = arith.extui %sign3A_489 : i1 to i32
            %sign3A_491 = arith.subi %sign3A_487, %sign3A_490 : i32
            %sign3A_492 = arith.constant 0 : i32
            %sign3A_493 = arith.cmpi sgt, %jit3A_483, %sign3A_492 : i32
            %sign3A_494 = arith.extui %sign3A_493 : i1 to i32
            %sign3A_495 = arith.constant 0 : i32
            %sign3A_496 = arith.cmpi slt, %jit3A_483, %sign3A_495 : i32
            %sign3A_497 = arith.extui %sign3A_496 : i1 to i32
            %sign3A_498 = arith.subi %sign3A_494, %sign3A_497 : i32
            %ne3A_499 = arith.cmpi ne, %sign3A_491, %sign3A_498 : i32
            %rem3A_500 = arith.remsi %while3A_482, %jit3A_483 : i32
            %ne3A_501 = arith.constant 0 : i32
            %ne3A_502 = arith.cmpi ne, %rem3A_500, %ne3A_501 : i32
            %and3A_503 = arith.andi %ne3A_499, %ne3A_502 : i1
            %sub3A_504 = arith.constant 1 : i32
            %sub3A_505 = arith.subi %div3A_484, %sub3A_504 : i32
            %select_n3A_506 = arith.select %and3A_503, %sub3A_505, %div3A_484 : i32
            %mul3A_507 = arith.constant 8 : i32
            %mul3A_508 = arith.muli %select_n3A_506, %mul3A_507 : i32
            %jit3A_509 = arith.constant 8 : i32
            %eq3A_510 = arith.constant 0 : i32
            %eq3A_511 = arith.cmpi eq, %jit3A_509, %eq3A_510 : i32
            %jit3A_512 = arith.constant 1 : i32
            %select_n3A_513 = arith.select %eq3A_511, %jit3A_512, %jit3A_509 : i32
            %rem3A_514 = arith.remsi %while3A_482, %select_n3A_513 : i32
            %ne3A_515 = arith.constant 0 : i32
            %ne3A_516 = arith.cmpi ne, %rem3A_514, %ne3A_515 : i32
            %lt3A_517 = arith.constant 0 : i32
            %lt3A_518 = arith.cmpi slt, %rem3A_514, %lt3A_517 : i32
            %lt3A_519 = arith.constant 0 : i32
            %lt3A_520 = arith.cmpi slt, %select_n3A_513, %lt3A_519 : i32
            %ne3A_521 = arith.xori %lt3A_518, %lt3A_520 : i1
            %and3A_522 = arith.andi %ne3A_521, %ne3A_516 : i1
            %add3A_523 = arith.addi %rem3A_514, %select_n3A_513 : i32
            %select_n3A_524 = arith.select %and3A_522, %add3A_523, %rem3A_514 : i32
            %add3A_525 = arith.addi %mul3A_508, %select_n3A_524 : i32
            %ge3A = arith.cmpi sge, %add3A_525, %sub3A_72 : i32
            %convert_element_type3A_526 = arith.extui %ge3A : i1 to i32
            %cond3A_527 = arith.constant 0 : i32
            %cond3A_528 = arith.cmpi ne, %convert_element_type3A_526, %cond3A_527 : i32
            scf.if %cond3A_528 {
              %swap3A_529 = arith.index_cast %while3A_482 : i32 to index
              %swap3A_530 = arith.constant 0 : index
              %swap3A_531 = tpu.vector_load %arg12[%swap3A_529, %swap3A_530] {strides = array<i32>} : memref<256x128xf32, #tpu.memory_space<vmem>>, vector<16xf32>,
              tpu.vector_store %arg12[%swap3A_529, %swap3A_530], %broadcast_in_dim3A_8 {strides = array<i32>} : memref<256x128xf32, #tpu.memory_space<vmem>>, vector<16xf32>,
              %swap3A_532 = arith.index_cast %while3A_482 : i32 to index
              %swap3A_533 = arith.constant 16 : index
              %swap3A_534 = tpu.vector_load %arg12[%swap3A_532, %swap3A_533] {strides = array<i32>} : memref<256x128xf32, #tpu.memory_space<vmem>>, vector<16xf32>,
              tpu.vector_store %arg12[%swap3A_532, %swap3A_533], %broadcast_in_dim3A_8 {strides = array<i32>} : memref<256x128xf32, #tpu.memory_space<vmem>>, vector<16xf32>,
              %swap3A_535 = arith.index_cast %while3A_482 : i32 to index
              %swap3A_536 = arith.constant 32 : index
              %swap3A_537 = tpu.vector_load %arg12[%swap3A_535, %swap3A_536] {strides = array<i32>} : memref<256x128xf32, #tpu.memory_space<vmem>>, vector<16xf32>,
              tpu.vector_store %arg12[%swap3A_535, %swap3A_536], %broadcast_in_dim3A_8 {strides = array<i32>} : memref<256x128xf32, #tpu.memory_space<vmem>>, vector<16xf32>,
              %swap3A_538 = arith.index_cast %while3A_482 : i32 to index
              %swap3A_539 = arith.constant 48 : index
              %swap3A_540 = tpu.vector_load %arg12[%swap3A_538, %swap3A_539] {strides = array<i32>} : memref<256x128xf32, #tpu.memory_space<vmem>>, vector<16xf32>,
              tpu.vector_store %arg12[%swap3A_538, %swap3A_539], %broadcast_in_dim3A_8 {strides = array<i32>} : memref<256x128xf32, #tpu.memory_space<vmem>>, vector<16xf32>,
              %swap3A_541 = arith.index_cast %while3A_482 : i32 to index
              %swap3A_542 = arith.constant 64 : index
              %swap3A_543 = tpu.vector_load %arg12[%swap3A_541, %swap3A_542] {strides = array<i32>} : memref<256x128xf32, #tpu.memory_space<vmem>>, vector<16xf32>,
              tpu.vector_store %arg12[%swap3A_541, %swap3A_542], %broadcast_in_dim3A_8 {strides = array<i32>} : memref<256x128xf32, #tpu.memory_space<vmem>>, vector<16xf32>,
              %swap3A_544 = arith.index_cast %while3A_482 : i32 to index
              %swap3A_545 = arith.constant 80 : index
              %swap3A_546 = tpu.vector_load %arg12[%swap3A_544, %swap3A_545] {strides = array<i32>} : memref<256x128xf32, #tpu.memory_space<vmem>>, vector<16xf32>,
              tpu.vector_store %arg12[%swap3A_544, %swap3A_545], %broadcast_in_dim3A_8 {strides = array<i32>} : memref<256x128xf32, #tpu.memory_space<vmem>>, vector<16xf32>,
              %swap3A_547 = arith.index_cast %while3A_482 : i32 to index
              %swap3A_548 = arith.constant 96 : index
              %swap3A_549 = tpu.vector_load %arg12[%swap3A_547, %swap3A_548] {strides = array<i32>} : memref<256x128xf32, #tpu.memory_space<vmem>>, vector<16xf32>,
              tpu.vector_store %arg12[%swap3A_547, %swap3A_548], %broadcast_in_dim3A_8 {strides = array<i32>} : memref<256x128xf32, #tpu.memory_space<vmem>>, vector<16xf32>,
              %swap3A_550 = arith.index_cast %while3A_482 : i32 to index
              %swap3A_551 = arith.constant 112 : index
              %swap3A_552 = tpu.vector_load %arg12[%swap3A_550, %swap3A_551] {strides = array<i32>} : memref<256x128xf32, #tpu.memory_space<vmem>>, vector<16xf32>,
              tpu.vector_store %arg12[%swap3A_550, %swap3A_551], %broadcast_in_dim3A_8 {strides = array<i32>} : memref<256x128xf32, #tpu.memory_space<vmem>>, vector<16xf32>,
            } else {
            }
          }
        } else {
        }
        "tpu.region"() ({
          %run_scoped3A = tpu.sem_alloc : memref<!tpu.dma_semaphore, #tpu.memory_space<semaphore_mem>>
          %dma_start3A_445 = arith.constant 0 : i32
          %dma_start3A_446 = tpu.memref_slice %arg5[%mul3A_71, %dma_start3A_445] : memref<65536x128xf32, #tpu.memory_space<hbm>> -> memref<256x128xf32, #tpu.memory_space<hbm>>
          %dma_start3A_447 = arith.constant 0 : i32
          %dma_start3A_448 = tpu.memref_slice %arg5[%mul3A_71, %dma_start3A_447] : memref<65536x128xf32, #tpu.memory_space<hbm>> -> memref<256x128xf32, #tpu.memory_space<hbm>>
          tpu.enqueue_dma source(%arg12 : memref<256x128xf32, #tpu.memory_space<vmem>>) target(%dma_start3A_448 : memref<256x128xf32, #tpu.memory_space<hbm>>) target_semaphore(%run_scoped3A : memref<!tpu.dma_semaphore, #tpu.memory_space<semaphore_mem>>)
          %dma_wait3A_449 = arith.constant 0 : i32
          %dma_wait3A_450 = tpu.memref_slice %arg5[%mul3A_71, %dma_wait3A_449] : memref<65536x128xf32, #tpu.memory_space<hbm>> -> memref<256x128xf32, #tpu.memory_space<hbm>>
          %dma_wait3A_451 = arith.constant 0 : i32
          %dma_wait3A_452 = tpu.memref_slice %arg5[%mul3A_71, %dma_wait3A_451] : memref<65536x128xf32, #tpu.memory_space<hbm>> -> memref<256x128xf32, #tpu.memory_space<hbm>>
          tpu.wait_dma2 semaphore(%run_scoped3A : memref<!tpu.dma_semaphore, #tpu.memory_space<semaphore_mem>>) src(%arg12 : memref<256x128xf32, #tpu.memory_space<vmem>>) dst(%dma_wait3A_452 : memref<256x128xf32, #tpu.memory_space<hbm>>)
          tpu.yield
        }) : () -> ()
      } else {
      }
      %le3A = arith.constant 0 : i32
      %le3A_77 = arith.cmpi sle, %sub3A_72, %le3A : i32
      %convert_element_type3A_78 = arith.extui %le3A_77 : i1 to i32
      %cond3A_79 = arith.constant 0 : i32
      %cond3A_80 = arith.cmpi ne, %convert_element_type3A_78, %cond3A_79 : i32
      scf.if %cond3A_80 {
        "tpu.region"() ({
          %run_scoped3A = tpu.sem_alloc : memref<!tpu.dma_semaphore, #tpu.memory_space<semaphore_mem>>
          %dma_start3A = arith.constant 0 : i32
          %dma_start3A_81 = tpu.memref_slice %arg5[%mul3A_71, %dma_start3A] : memref<65536x128xf32, #tpu.memory_space<hbm>> -> memref<256x128xf32, #tpu.memory_space<hbm>>
          tpu.enqueue_dma source(%arg15 : memref<256x128xf32, #tpu.memory_space<vmem_shared>>) target(%dma_start3A_81 : memref<256x128xf32, #tpu.memory_space<hbm>>) target_semaphore(%run_scoped3A : memref<!tpu.dma_semaphore, #tpu.memory_space<semaphore_mem>>)
          %dma_wait3A = arith.constant 0 : i32
          %dma_wait3A_82 = tpu.memref_slice %arg5[%mul3A_71, %dma_wait3A] : memref<65536x128xf32, #tpu.memory_space<hbm>> -> memref<256x128xf32, #tpu.memory_space<hbm>>
          tpu.wait_dma2 semaphore(%run_scoped3A : memref<!tpu.dma_semaphore, #tpu.memory_space<semaphore_mem>>) src(%arg15 : memref<256x128xf32, #tpu.memory_space<vmem_shared>>) dst(%dma_wait3A_82 : memref<256x128xf32, #tpu.memory_space<hbm>>)
          tpu.yield
        }) : () -> ()
      } else {
      }
    }
    %scan3A_62 = arith.constant 8 : i32
    return
  }
}

</mosaic_0001>

<sc_bundles>
// kernel: kernel.3.cloned.1.call-start
scs
__scs_entry_jumppad:
0x0: {  	(pc) =	sbr.rel $0x88, $3  }
0x1: {  	(tag) =	ssettag $0x0;
	lr =	simm.s32 $0x1  }
0x2: {  	[smem:$0x3F9E] =	sst lr;
	_ =	strace $0xD0000000  }
0x3: {  	_ = 	snop  }
0x4: {  	_ = 	snop  }
0x5: {  	_ = 	snop  }
0x6: {  	_ = 	snop  }
0x7: {  	_ = 	snop  }
__scs_overlays_trampoline_lowered:
0x8: {  	[smem:$0x3FAD] =	sst s0  }
0x9: {  	[smem:$0x3FAE] =	sst s1  }
0xa: {  	[smem:$0x3FAF] =	sst s2  }
0xb: {  	[smem:$0x3FB0] =	sst s3  }
0xc: {  	[smem:$0x3FB1] =	sst s4  }
0xd: {  	[smem:$0x3FB2] =	sst s5  }
0xe: {  	[smem:$0x3FB3] =	sst s6  }
0xf: {  	[smem:$0x3FB4] =	sst s7  }
0x10: {  	[smem:$0x3FB5] =	sst s8  }
0x11: {  	[smem:$0x3FB6] =	sst s9;
	s0 =	simm.s32 @!p0 $0x0  }
0x12: {  	s1 =	sld [smem:$0x3F9C];
	s0 =	simm.s32 @p0 $0x1  }
0x13: {  	[smem:$0x3FB7] =	sst s0;
	s0 =	simm.s32 @!p1 $0x0  }
0x14: {  	s2 =	sld [smem:$0x3F9B];
	s0 =	simm.s32 @p1 $0x1  }
0x15: {  	[smem:$0x3FB8] =	sst s0;
	s0 =	simm.s32 @!p2 $0x0  }
0x16: {  	s3 =	sld [smem:$0x3FDB];
	s0 =	simm.s32 @p2 $0x1  }
0x17: {  	s4 =	simm.s32 $0x1BF5;
	[smem:$0x3FBA] =	sst s0  }
0x18: {  	s0 =	sld [smem:$0x3F9D];
	_ =	swait.ge [sflag:s4], $0x0  }
0x19: {  	s7 =	sld [smem:$0x3F9E]  }
0x1a: {  	s8 =	sadd.s32 $0xFFFFE003, lr  }
0x1b: {  	s9 =	sadd.s32 $0xFFFFFEF7, lr;
	s5 =	simm.s32 $0xFFFFFFFF;
	p2 =	slt.u32 s8, $0xFFFFF086  }
0x1c: {  	p1 =	slt.u32 s9, $0xF7A;
	s5 =	simm.s32 @!p2 $0x0  }
0x1d: {  	s5 =	simm.s32 @p1 $0x1;
	p0 =	seq.s32 s7, s2  }
0x1e: {  	s7 =	smul.u32 @!p0 $0xF7A, s2;
	p2 =	seq.s32 @!p0 s5, $0x0  }
0x1f: {  	s9 =	smul.u32 $0xF7A, s1;
	s8 =	simm.s32 @!p0 $0x1BF5;
	p2 =	por !p2, p0  }
0x20: {  	[sflag:s8] =	ssyncset.s32 @!p0 $0xFFFFF086;
	s6 =	sadd.s32 @!p0 s3, s7;
	s7 =	simm.s32 @!p0 $0x108  }
0x21: {  	s3 =	sadd.s32 s3, s9;
	s6 =	sadd.s32 @!p0 $0x88, s6;
	s7 =	simm.s32 @p2 $0x1082  }
0x22: {  	[simem:s7], [sflag:s8] =	dma.local @!p0 [hbm:s6], $0xF7A  }
0x23: {  	s9 =	sor.u32 $0xD0000000, s2;
	s6 =	simm.s32 $0x108;
	_ =	swait.ge @!p0 [sflag:s8], $0x0  }
0x24: {  	s3 =	sadd.s32 $0x88, s3;
	s6 =	simm.s32 @!p1 $0x1082;
	[sflag:s4] =	ssyncset.s32 $0xFFFFF086  }
0x25: {  	[simem:s6], [sflag:s4] =	dma.local [hbm:s3], $0xF7A  }
0x26: {  	[smem:$0x3F9E] =	sst s1;
	(tag) =	ssettag s2;
	_ =	strace s9  }
0x27: {  	s1 =	sld [smem:$0x3FAE]  }
0x28: {  	s2 =	sld [smem:$0x3FAF]  }
0x29: {  	s4 =	sld [smem:$0x3FB1]  }
0x2a: {  	p0 =	seq.s32 s5, $0x0;
	s5 =	sld [smem:$0x3FB2]  }
0x2b: {  	s6 =	sld [smem:$0x3FB3]  }
0x2c: {  	s7 =	sld [smem:$0x3FB4]  }
0x2d: {  	s3 =	simm.s32 $0x108;
	s8 =	sld [smem:$0x3FB5]  }
0x2e: {  	s3 =	simm.s32 @!p0 $0x1082;
	s9 =	sld [smem:$0x3FB6]  }
0x2f: {  	lr =	sadd.s32 s0, s3;
	s0 =	sld [smem:$0x3FAD]  }
0x30: {  	s3 =	sld [smem:$0x3FB0]  }
0x31: {  	[smem:$0x3FB9] =	sst s10  }
0x32: {  	s10 =	sld [smem:$0x3FB7];
	_ =	sdelay $0x3  }
0x33: {  	p0 =	seq.s32 s10, $0x1;
	s10 =	sld [smem:$0x3FB9];
	_ =	sdelay $0x3  }
0x34: {  	[smem:$0x3FB9] =	sst s10  }
0x35: {  	s10 =	sld [smem:$0x3FB8];
	_ =	sdelay $0x3  }
0x36: {  	p1 =	seq.s32 s10, $0x1;
	s10 =	sld [smem:$0x3FB9];
	_ =	sdelay $0x3  }
0x37: {  	[smem:$0x3FB9] =	sst s10  }
0x38: {  	s10 =	sld [smem:$0x3FBA]  }
0x39: {  	_ = 	snop;
	(pc) =	sbr.ind lr, $3  }
0x3a: {  	_ = 	snop  }
0x3b: {  	_ = 	snop  }
0x3c: {  	p2 =	seq.s32 s10, $0x1;
	s10 =	sld [smem:$0x3FB9]  }
0x3d: {  	_ =	shalt  }
0x3e: {  	_ =	shalt  }
0x3f: {  	_ =	shalt  }
0x40: {  	_ =	shalt  }
0x41: {  	_ =	shalt  }
0x42: {  	_ =	shalt  }
0x43: {  	_ =	shalt  }
0x44: {  	_ =	shalt  }
0x45: {  	_ =	shalt  }
0x46: {  	_ =	shalt  }
0x47: {  	_ =	shalt  }
0x48: {  	_ =	shalt  }
0x49: {  	_ =	shalt  }
0x4a: {  	_ =	shalt  }
0x4b: {  	_ =	shalt  }
0x4c: {  	_ =	shalt  }
0x4d: {  	_ =	shalt  }
0x4e: {  	_ =	shalt  }
0x4f: {  	_ =	shalt  }
0x50: {  	_ =	shalt  }
0x51: {  	_ =	shalt  }
0x52: {  	_ =	shalt  }
0x53: {  	_ =	shalt  }
0x54: {  	_ =	shalt  }
0x55: {  	_ =	shalt  }
0x56: {  	_ =	shalt  }
0x57: {  	_ =	shalt  }
0x58: {  	_ =	shalt  }
0x59: {  	_ =	shalt  }
0x5a: {  	_ =	shalt  }
0x5b: {  	_ =	shalt  }
0x5c: {  	_ =	shalt  }
0x5d: {  	_ =	shalt  }
0x5e: {  	_ =	shalt  }
0x5f: {  	_ =	shalt  }
0x60: {  	_ =	shalt  }
0x61: {  	_ =	shalt  }
0x62: {  	_ =	shalt  }
0x63: {  	_ =	shalt  }
0x64: {  	_ =	shalt  }
0x65: {  	_ =	shalt  }
0x66: {  	_ =	shalt  }
0x67: {  	_ =	shalt  }
0x68: {  	_ =	shalt  }
0x69: {  	_ =	shalt  }
0x6a: {  	_ =	shalt  }
0x6b: {  	_ =	shalt  }
0x6c: {  	_ =	shalt  }
0x6d: {  	_ =	shalt  }
0x6e: {  	_ =	shalt  }
0x6f: {  	_ =	shalt  }
0x70: {  	_ =	shalt  }
0x71: {  	_ =	shalt  }
0x72: {  	_ =	shalt  }
0x73: {  	_ =	shalt  }
0x74: {  	_ =	shalt  }
0x75: {  	_ =	shalt  }
0x76: {  	_ =	shalt  }
0x77: {  	_ =	shalt  }
0x78: {  	_ =	shalt  }
0x79: {  	_ =	shalt  }
0x7a: {  	_ =	shalt  }
0x7b: {  	_ =	shalt  }
0x7c: {  	_ =	shalt  }
0x7d: {  	_ =	shalt  }
0x7e: {  	_ =	shalt  }
0x7f: {  	_ =	shalt  }
0x80: {  	_ =	shalt  }
0x81: {  	_ =	shalt  }
0x82: {  	_ =	shalt  }
0x83: {  	_ =	shalt  }
0x84: {  	_ =	shalt  }
0x85: {  	_ =	shalt  }
0x86: {  	_ =	shalt  }
0x87: {  	_ =	shalt  }
.Lfunc_end0:
.L_simem_size_0:
called_computation_lowered:
.L_overlay_start_0:
0x88: {  	s2 =	sld [smem:$0x3FD9]  }
0x89: {  	s3 =	sld [smem:$0x3FFE];
	_ =	sdelay $0x1  }
0x8a: {  	s1 =	srdreg.scid  }
0x8b: {  	s0 =	sand.u32 $0x1, s1  }
0x8c: {  	s17 =	sshll.u32 s0, $0xA;
	s2 =	sadd.s32 s3, s2  }
0x8d: {  	s2 =	sadd.s32 s2, s17  }
0x8e: {  	[smem:$0x3FC5] =	sst s2  }
0x8f: {  	_ = 	snop  }
0x90: {  	s2 =	sld [smem:$0x3FC9]  }
0x91: {  	s18 =	sld [smem:$0x3FD0];
	(tm) =	ssettm $0x1  }
0x92: {  	s4 =	sld [smem:$0x3FFB];
	_ =	sdelay $0x3  }
0x93: {  	_ =	strace s4  }
0x94: {  	s4 =	sld [smem:$0x3FFC];
	_ =	sdelay $0x3  }
0x95: {  	_ =	strace s4  }
0x96: {  	s4 =	sld [smem:$0x3FFD];
	_ =	sdelay $0x3  }
0x97: {  	_ =	strace s4  }
0x98: {  	_ =	strace $0x8FFFFFFF  }
0x99: {  	s19 =	sld [smem:$0x3FDB];
	_ =	sdelay $0x1  }
0x9a: {  	s5 =	simm.s32 $_scs_section_size  }
0x9b: {  	s6 =	simm.s32 $_size__tile_overlayer_lowered;
	s7 =	simm.s32 $_tile_overlayer_lowered  }
0x9c: {  	s22 =	simm.s32 $0x1BFF;
	s21 =	sshll.u32 s7, $0x1;
	s4 =	sadd.s32 s5, s19  }
0x9d: {  	s8 =	simm.s32 $0x0;
	s20 =	sshll.u32 s6, $0x1;
	s6 =	sadd.s32 s21, s4  }
0x9e: {  	[timem:s8], [sflag:s22] =	dma.local [hbm:s6], s20  }
0x9f: {  	_ =	swait.ge [sflag:s22], s20  }
0xa0: {  	s5 =	ssub.s32 $0x0, s20;
	[sflag:s22] =	ssyncset.done $0x0  }
0xa1: {  	[sflag:s22] =	ssyncadd.s32 s5;
	_ =	sdelay $0x1  }
0xa2: {  	s23 =	simm.s32 $0x1B8B  }
0xa3: {  	_ =	swait.ge [sflag:s23], $0x1  }
0xa4: {  	[sflag:s23] =	ssyncset.done $0x0  }
0xa5: {  	s25 =	simm.s32 $0x1B8E;
	s24 =	sld [smem:$0x3FFE];
	[sflag:s23] =	ssyncadd.s32 $0xFFFFFFFF  }
0xa6: {  	s26 =	simm.s32 $execute0_lowered;
	[smem:$0x3FD2] =	sst s25  }
0xa7: {  	s6 =	sshll.u32 s26, $0x1;
	_ =	strace $0x80000046;
	[dreg:$0x1] =	wrdreg $0xFFFFFFFF  }
0xa8: {  	s28 =	simm.s32 $_size_execute0_lowered;
	s4 =	sadd.s32 s4, s6;
	[dreg:$0x0] =	wrdreg $0x0  }
0xa9: {  	s6 =	sshll.u32 s28, $0x1;
	[dreg:$0x2] =	wrdreg s4  }
0xaa: {  	[dreg:$0x3] =	wrdreg s6  }
0xab: {  	[dreg:$0x4] =	wrdreg $0xC0  }
0xac: {  	_ =	task [dreg:s8], $0x5FFFF  }
0xad: {  	[dreg:$0x1] =	wrdreg $0xFFFFFFFF  }
0xae: {  	[dreg:$0x0] =	wrdreg $0x60  }
0xaf: {  	[dreg:$0x2] =	wrdreg s2  }
0xb0: {  	[dreg:$0x3] =	wrdreg s24  }
0xb1: {  	[dreg:$0x4] =	wrdreg s18  }
0xb2: {  	[dreg:$0x5] =	wrdreg $0x1A6000  }
0xb3: {  	[dreg:$0x6] =	wrdreg $0x1AE000  }
0xb4: {  	[dreg:$0x7] =	wrdreg $0x1AE100  }
0xb5: {  	[dreg:$0x8] =	wrdreg $0x9  }
0xb6: {  	_ =	task.clear_ibuf [dreg:s8], $0x9FFFF;
	_ =	strace $0x90000046  }
0xb7: {  	s29 =	simm.s32 $0x9;
	_ =	strace $0x80000048  }
0xb8: {  	_ =	swait.ge [sflag:s29], $0x1  }
0xb9: {  	[sflag:s29] =	ssyncadd.s32 $0xFFFFFFFF  }
0xba: {  	_ =	strace $0x90000048  }
0xbb: {  	_ =	sfence  }
0xbc: {  	s30 =	sld [smem:$0x0];
	_ =	sdelay $0x2  }
0xbd: {  	s31 =	sshll.u32 s1, $0xD;
	s1 =	sshrl.u32 s1, $0x2  }
0xbe: {  	s3 =	sand.u32 $0x4000, s31;
	s1 =	sadd.s32 s1, s30  }
0xbf: {  	s0 =	sor.u32 s3, s0;
	s1 =	sshll.u32 s1, $0x11  }
0xc0: {  	s0 =	sor.u32 s1, s0  }
0xc1: {  	s0 =	sadd.s32 $0x8F2B, s0  }
0xc2: {  	[sflag:s0] =	ssyncadd.remote.s32 $0x1  }
0xc3: {  	_ =	sfence.sel $0xFFFF  }
0xc4: {  	[dreg:$0x0] =	wrdreg $0xFFFFFFFF;
	(pc) =	sbr.abs _section_cstart, $3  }
0xc5: {  	[dreg:$0x1] =	wrdreg $0xFFFFFFFF  }
0xc6: {  	_ =	task.clear_ibuf [dreg:s8], $0x2FFFF;
	_ =	strace $0x9FFFFFFF  }
0xc7: {  	(tm) =	ssettm $0x7FFFFFFF  }
tec
execute0_lowered:
.L_overlay_start_1:
0x0: {  	(tag) =	ssettag $0x1  }
0x1: {  	s0 =	rddreg [dreg:$0x0]  }
0x2: {  	s1 =	rddreg [dreg:$0x1]  }
0x3: {  	s2 =	rddreg [dreg:$0x2]  }
0x4: {  	s14 =	rddreg [dreg:$0x3]  }
0x5: {  	s5 =	rddreg [dreg:$0x5]  }
0x6: {  	s6 =	simm.s32 $0x0;
	s3 =	srdreg.scid;
	s9 =	stileid.u32  }
0x7: {  	s15 =	simm.s32 $0x12600;
	s16 =	simm.s32 $0x2;
	s17 =	simm.s32 $0x12000  }
0x8: {  	s19 =	simm.s32 $0x3;
	s20 =	simm.s32 $0x12100;
	s29 =	simm.s32 $0x0  }
0x9: {  	[smem:$0x7FF] =	sst s6;
	s3 =	sand.u32 $0x1, s3;
	s4 =	sadd.s32 $0x800, s1  }
0xa: {  	s1 =	sadd.s32 $0x400, s1;
	s7 =	sshrl.u32 s9, $0x1;
	s24 =	sshll.u32 s9, $0xA  }
0xb: {  	s8 =	sand.u32 $0x1, s9;
	s26 =	sshll.u32 s9, $0x1;
	p0 =	seq.s32 s9, $0x1  }
0xc: {  	p1 =	sne.s32 s9, $0x0;
	_ =	strace $0x80000047;
	[dreg:$0x7] =	wrdreg s4  }
0xd: {  	v0 =	vlaneseq.u32;
	s21 =	ssub.s32 $0x2, s3;
	[dreg:$0x8] =	wrdreg s1;
	s23 =	sshll.u32 s3, $0x3  }
0xe: {  	v3 =	vimm.f32 $0.0e+00;
	v1 =	vand.u32 $0x7, v0;
	s10 =	sand.u32 $0x400, s24;
	s25 =	sshll.u32 s8, $0x10;
	s3 =	sshll.u32 s3, $0x5  }
0xf: {  	v24 =	vimm.s32 $0x0;
	v4 =	vshrl.u32 v0, $0x3;
	v1 =	vmul.u32 $0x8, v1;
	s30 =	sshll.u32 s8, $0xB;
	s24 =	simm.s32 $0x16600;
	s22 =	sshrl.u32 s21, $0x1  }
0x10: {  	v20 =	vor.u32 $0x10, v0;
	v21 =	vor.u32 $0x20, v0;
	v22 =	vor.u32 $0x30, v0;
	s4 =	sor.u32 s7, s23;
	s3 =	sor.u32 s3, s25;
	s31 =	ssub.s32 $0x0, s30  }
0x11: {  	v23 =	vor.u32 $0x40, v0;
	v4 =	vmul.u32 $0x8, v4;
	s23 =	simm.s32 $0x12580;
	s25 =	simm.s32 $0x1;
	s1 =	ssub.s32 s21, s22;
	v5 =	vor.u32 $0x40, v1  }
.Ltmp0:
0x12: {  	s12 =	sshll.u32 s4, $0xA;
	s13 =	sshll.u32 s4, $0x6;
	v6 =	vor.u32 $0x80, v1;
	v7 =	vor.u32 $0xC0, v1;
	v8 =	vor.u32 $0x100, v1;
	(pc) =	sbr.rel .LBB2_1-.Ltmp0, $4  }
0x13: {  	s11 =	sshll.u32 s4, $0xC;
	s3 =	sor.u32 s26, s3;
	[dreg:$0xb] =	wrdreg s31;
	v9 =	vor.u32 $0x140, v1;
	v10 =	vor.u32 $0x180, v1;
	v11 =	vor.u32 $0x1C0, v1  }
0x14: {  	v12 =	vor.u32 $0x200, v1;
	v13 =	vor.u32 $0x240, v1;
	v14 =	vor.u32 $0x280, v1;
	s21 =	simm.s32 $0x80;
	s1 =	smax.u32 s1, $0x1;
	s28 =	sshrl.u32 s3, $0x2  }
0x15: {  	v15 =	vor.u32 $0x2C0, v1;
	v16 =	vor.u32 $0x300, v1;
	v17 =	vor.u32 $0x340, v1;
	s22 =	simm.s32 $0x12500;
	[dreg:$0x9] =	wrdreg s1;
	s1 =	sadd.s32 s28, s14  }
0x16: {  	v18 =	vor.u32 $0x380, v1;
	v19 =	vor.u32 $0x3C0, v1;
	s26 =	simm.s32 $0x8000;
	v2 =	vmov s12;
	s18 =	sshrl.u32 s13, $0x2;
	[dreg:$0xa] =	wrdreg s1  }
.LBB2_22:
0x17: {  	s29 =	sadd.s32 $0x1, s29;
	s1 =	rddreg [dreg:$0x9]  }
0x18: {  	p2 =	sne.s32 s29, s1  }
.Ltmp1:
0x19: {  	_ = 	snop;
	(pc) =	sbr.rel @!p2 .LBB2_23-.Ltmp1, $1  }
0x1a: {  	_ =	sdelay $0x3  }
.LBB2_1:
.Ltmp2:
0x1b: {  	(pc) =	sbr.rel @p0 .LBB2_8-.Ltmp2, $1  }
0x1c: {  	_ =	sdelay $0x3  }
.Ltmp3:
0x1d: {  	(pc) =	sbr.rel @p1 .LBB2_11-.Ltmp3, $1  }
0x1e: {  	_ =	sdelay $0x3  }
0x1f: {  	s1 =	rddreg [dreg:$0x7]  }
0x20: {  	[tilespmem:s6], [sflag:$0x2] =	stream.linear.gather [hbm4b:s1+s6], $0x8000, $0x38;
	[tilespmem:$0x1B610] =	vst v63  }
0x21: {  	_ =	swait.ge [sflag:s16], $0x8000  }
0x22: {  	[sflag:s16] =	ssyncset.done $0x0  }
0x23: {  	s13 =	rddreg [dreg:$0x8];
	[sflag:s16] =	ssyncadd.s32 $0xFFFF8000  }
0x24: {  	[tilespmem:s26], [sflag:$0x2] =	stream.linear.gather [hbm4b:s13+s6], $0x2000, $0x38;
	[tilespmem:$0x1B610] =	vst v63  }
0x25: {  	_ =	swait.ge [sflag:s16], $0x2000  }
0x26: {  	[sflag:s16] =	ssyncset.done $0x0  }
0x27: {  	v25 =	vimm.s32 $0x0;
	[sflag:s16] =	ssyncadd.s32 $0xFFFFE000  }
0x28: {  	[tilespmem:$0xA000] =	vst v25  }
0x29: {  	s14 =	simm.s32 $0x40;
	v26 =	vld.idx.msk [tilespmem:v0+s26+$0x0], $0xffff  }
0x2a: {  	v27 =	vld [tilespmem:s14+$0xFFFFFFD0];
	_ =	sdelay $0x4  }
0x2b: {  	vm1 =	vne.s32 v27, v26  }
0x2c: {  	v28 =	vld.idx.msk [tilespmem:v21+s26+$0x0], $0xffff;
	v27 =	vsel vm1, $0x1, v24  }
0x2d: {  	v30 =	vld [tilespmem:s14+$0xFFFFFFE0];
	v25 =	vadd.s32 v27, v25  }
0x2e: {  	v27 =	vld.idx.msk [tilespmem:v20+s26+$0x0], $0xffff;
	vm0 =	vlt.s32 v25, $0x1FB  }
0x2f: {  	v32 =	vld.idx.msk [tilespmem:v22+s26+$0x0], $0xffff;
	v29 =	vnsel vm0, $0x1FB, v25  }
0x30: {  	v33 =	vld.idx.msk [tilespmem:v23+s26+$0x0], $0xffff;
	v29 =	vshll.u32 v29, $0x4  }
0x31: {  	v29 =	vadd.s32 v23, v29  }
0x32: {  	v34 =	vimm.s32 $0x1;
	v31 =	vld [tilespmem:s14+$0xFFFFFFF0];
	vm2 =	vlt.s32 v25, $0x200  }
0x33: {  	vm0 =	vlt.s32 v25, $0x1FF;
	v42 =	vsel vm2, $0x1, v24;
	v26 =	vsel vm1, v27, v26  }
0x34: {  	v34 =	vadd.s32 v42, v34;
	v27 =	vsel vm1, v28, v27;
	vm3 =	vne.s32 v30, v26  }
0x35: {  	v28 =	vsel vm1, v32, v28;
	v32 =	vsel vm1, v33, v32;
	v35 =	vsel vm3, $0x1, v24  }
0x36: {  	v36 =	vsel vm3, v27, v26;
	v27 =	vsel vm3, v28, v27;
	v28 =	vsel vm3, v32, v28;
	v30 =	vld.idx.msk [tilespmem:v29+s26+$0x0], $0xffff  }
0x37: {  	v26 =	vadd.s32 v35, v25;
	v29 =	vnsel vm0, $0x1FF, v25;
	vm0 =	vne.s32 v31, v36;
	v25 =	vld [tilespmem:s14+$0x0]  }
0x38: {  	vm4 =	vlt.s32 v26, $0x1FB;
	vm2 =	vlt.s32 v26, $0x200;
	v31 =	vsel vm0, $0x1, v24  }
0x39: {  	v48 =	vsel vm0, v27, v36;
	v27 =	vsel vm0, v28, v27;
	v31 =	vadd.s32 v31, v26  }
0x3a: {  	v47 =	vld [tilespmem:s14+$0x10];
	v50 =	vnsel vm4, $0x1FB, v26;
	vm1 =	vlt.s32 v31, $0x1FB;
	vm6 =	vlt.s32 v31, $0x200  }
0x3b: {  	v54 =	vsel vm2, $0x1, v24;
	v49 =	vnsel vm1, $0x1FB, v31;
	v40 =	vsel vm6, $0x1, v24  }
0x3c: {  	v30 =	vsel vm3, v30, v32;
	vm3 =	vne.s32 v25, v48;
	v25 =	vshll.u32 v49, $0x4  }
0x3d: {  	v51 =	vld [tilespmem:s14+$0x20];
	v32 =	vshll.u32 v50, $0x4;
	v35 =	vsel vm3, v27, v48;
	v28 =	vsel vm0, v30, v28  }
0x3e: {  	v37 =	vsel vm3, $0x1, v24;
	v32 =	vadd.s32 v23, v32;
	v25 =	vadd.s32 v23, v25  }
0x3f: {  	vm4 =	vne.s32 v47, v35;
	v52 =	vsel vm3, v28, v27;
	v37 =	vadd.s32 v37, v31  }
0x40: {  	v27 =	vsel vm4, $0x1, v24;
	v35 =	vsel vm4, v52, v35;
	vm1 =	vlt.s32 v37, $0x1FB  }
0x41: {  	vm2 =	vlt.s32 v37, $0x200;
	vm6 =	vlt.s32 v37, $0x1FF;
	v27 =	vadd.s32 v27, v37  }
0x42: {  	vm5 =	vne.s32 v51, v35;
	v53 =	vnsel vm1, $0x1FB, v37;
	v56 =	vsel vm2, $0x1, v24  }
0x43: {  	vm1 =	vlt.s32 v27, $0x1FB;
	v38 =	vsel vm5, $0x1, v24;
	v36 =	vshll.u32 v53, $0x4  }
0x44: {  	v39 =	vnsel vm1, $0x1FB, v27;
	v38 =	vadd.s32 v38, v27;
	v36 =	vadd.s32 v23, v36;
	v32 =	vld.idx.msk [tilespmem:v32+s26+$0x0], $0xffff  }
0x45: {  	v43 =	vld.idx.msk [tilespmem:v25+s26+$0x0], $0xffff;
	v25 =	vadd.s32 v54, v34;
	v39 =	vshll.u32 v39, $0x4;
	vm7 =	vlt.s32 v38, $0x1FB  }
0x46: {  	vm1 =	vlt.s32 v38, $0x200;
	v25 =	vadd.s32 v40, v25;
	vm2 =	vlt.s32 v38, $0x1FF  }
0x47: {  	v39 =	vadd.s32 v23, v39;
	v41 =	vnsel vm7, $0x1FB, v38;
	vm7 =	vlt.s32 v27, $0x200  }
0x48: {  	v57 =	vld [tilespmem:s14+$0x30];
	v42 =	vnsel vm2, $0x1FF, v38;
	vm2 =	vlt.s32 v26, $0x1FF;
	v41 =	vshll.u32 v41, $0x4  }
0x49: {  	v61 =	vsel vm7, $0x1, v24;
	v41 =	vadd.s32 v23, v41;
	v55 =	vld.idx.msk [tilespmem:v36+s26+$0x0], $0xffff;
	v36 =	vadd.s32 v56, v25  }
0x4a: {  	v30 =	vsel vm0, v32, v30;
	v25 =	vnsel vm6, $0x1FF, v37;
	vm0 =	vlt.s32 v27, $0x1FF  }
0x4b: {  	v58 =	vld [tilespmem:s14+$0x40];
	vm6 =	vlt.s32 v31, $0x1FF;
	v28 =	vsel vm3, v30, v28;
	v30 =	vsel vm3, v43, v30  }
0x4c: {  	v36 =	vadd.s32 v61, v36;
	v59 =	vld.idx.msk [tilespmem:v39+s26+$0x0], $0xffff;
	v33 =	vsel vm4, v28, v52;
	v28 =	vsel vm4, v30, v28  }
0x4d: {  	v52 =	vsel vm1, $0x1, v24;
	v35 =	vsel vm5, v33, v35;
	v33 =	vsel vm5, v28, v33  }
0x4e: {  	s28 =	simm.s32 $0xC0;
	v36 =	vadd.s32 v52, v36;
	vm7 =	vne.s32 v57, v35;
	v30 =	vsel vm4, v55, v30  }
0x4f: {  	v60 =	vld [tilespmem:s28+$0xFFFFFFD0];
	v62 =	vsel vm7, $0x1, v24;
	v35 =	vsel vm7, v33, v35;
	v28 =	vsel vm5, v30, v28  }
0x50: {  	vm3 =	vne.s32 v58, v35;
	v63 =	vadd.s32 v62, v38;
	v33 =	vsel vm7, v28, v33  }
0x51: {  	v44 =	vld.idx.msk [tilespmem:v41+s26+$0x0], $0xffff;
	v30 =	vsel vm5, v59, v30;
	v43 =	vsel vm3, $0x1, v24;
	vm5 =	vlt.s32 v63, $0x1FB  }
0x52: {  	vm1 =	vlt.s32 v63, $0x200;
	v40 =	vsel vm3, v33, v35;
	v28 =	vsel vm7, v30, v28  }
0x53: {  	v35 =	vadd.s32 v43, v63;
	v46 =	vnsel vm5, $0x1FB, v63;
	v53 =	vsel vm1, $0x1, v24  }
0x54: {  	vm1 =	vlt.s32 v63, $0x1FF;
	v43 =	vnsel vm2, $0x1FF, v26;
	vm4 =	vne.s32 v60, v40  }
0x55: {  	v51 =	vld [tilespmem:s28+$0xFFFFFFE0];
	v33 =	vsel vm3, v28, v33;
	vm8 =	vlt.s32 v35, $0x1FB;
	v39 =	vshll.u32 v46, $0x4  }
0x56: {  	v30 =	vsel vm7, v44, v30;
	v48 =	vnsel vm8, $0x1FB, v35;
	v39 =	vadd.s32 v23, v39  }
0x57: {  	vm7 =	vlt.s32 v35, $0x1FF;
	v45 =	vsel vm4, $0x1, v24;
	v41 =	vshll.u32 v48, $0x4  }
0x58: {  	v36 =	vadd.s32 v53, v36;
	v38 =	vadd.s32 v45, v35;
	v50 =	vadd.s32 v23, v41  }
0x59: {  	v34 =	vsel vm4, v33, v40;
	v28 =	vsel vm3, v30, v28;
	vm5 =	vlt.s32 v38, $0x1FB  }
0x5a: {  	v44 =	vld [tilespmem:s28+$0xFFFFFFF0];
	v54 =	vsel vm4, v28, v33;
	vm2 =	vne.s32 v51, v34;
	v47 =	vnsel vm5, $0x1FB, v38  }
0x5b: {  	v48 =	vnsel vm0, $0x1FF, v27;
	vm5 =	vlt.s32 v35, $0x200;
	v40 =	vshll.u32 v47, $0x4;
	v39 =	vld.idx.msk [tilespmem:v39+s26+$0x0], $0xffff  }
0x5c: {  	v26 =	vsel vm2, $0x1, v24;
	v45 =	vsel vm5, $0x1, v24;
	v49 =	vadd.s32 v23, v40  }
0x5d: {  	v34 =	vsel vm2, v54, v34;
	v36 =	vadd.s32 v45, v36;
	v45 =	vnsel vm6, $0x1FF, v31;
	v31 =	vld.idx.msk [tilespmem:v50+s26+$0x0], $0xffff  }
0x5e: {  	v35 =	vnsel vm7, $0x1FF, v35;
	v40 =	vnsel vm1, $0x1FF, v63;
	vm1 =	vlt.s32 v38, $0x1FF  }
0x5f: {  	v26 =	vadd.s32 v26, v38;
	v37 =	vnsel vm1, $0x1FF, v38;
	vm1 =	vne.s32 v44, v34  }
0x60: {  	v56 =	vld [tilespmem:s28+$0x0];
	vm5 =	vlt.s32 v38, $0x200;
	v57 =	vsel vm1, $0x1, v24;
	v30 =	vsel vm3, v39, v30  }
0x61: {  	vm6 =	vlt.s32 v26, $0x1FB;
	v55 =	vld.idx.msk [tilespmem:v49+s26+$0x0], $0xffff;
	v39 =	vsel vm4, v30, v28;
	v28 =	vadd.s32 v57, v26  }
0x62: {  	v57 =	vsel vm5, $0x1, v24;
	vm5 =	vlt.s32 v26, $0x200;
	v30 =	vsel vm4, v31, v30  }
0x63: {  	v32 =	vsel vm2, v39, v54;
	vm3 =	vlt.s32 v28, $0x1FB;
	v36 =	vadd.s32 v57, v36  }
0x64: {  	v31 =	vld [tilespmem:s28+$0x10];
	v39 =	vsel vm2, v30, v39;
	v34 =	vsel vm1, v32, v34;
	v59 =	vnsel vm3, $0x1FB, v28  }
0x65: {  	v58 =	vsel vm1, v39, v32;
	vm4 =	vne.s32 v56, v34;
	v60 =	vshll.u32 v59, $0x4  }
0x66: {  	v44 =	vsel vm2, v55, v30;
	v30 =	vnsel vm6, $0x1FB, v26;
	vm6 =	vlt.s32 v28, $0x200  }
0x67: {  	v34 =	vsel vm4, v58, v34;
	v62 =	vsel vm4, $0x1, v24;
	v53 =	vadd.s32 v23, v60  }
0x68: {  	v60 =	vsel vm5, $0x1, v24;
	v32 =	vsel vm1, v44, v39;
	v46 =	vshll.u32 v30, $0x4  }
0x69: {  	v61 =	vld [tilespmem:s28+$0x20];
	v47 =	vadd.s32 v62, v28;
	v62 =	vsel vm6, $0x1, v24;
	vm2 =	vne.s32 v31, v34  }
0x6a: {  	v52 =	vadd.s32 v23, v46;
	vm0 =	vlt.s32 v47, $0x1FB;
	v63 =	vsel vm2, $0x1, v24  }
0x6b: {  	v31 =	vsel vm4, v32, v58;
	v54 =	vnsel vm0, $0x1FB, v47;
	v27 =	vadd.s32 v63, v47  }
0x6c: {  	s30 =	simm.s32 $0xA040;
	vm6 =	vlt.s32 v47, $0x200;
	v33 =	vshll.u32 v54, $0x4;
	vm0 =	vlt.s32 v27, $0x1FB  }
0x6d: {  	[tilespmem:s30+$0xFFFFFFD0] =	vst v29;
	v30 =	vsel vm2, v31, v34;
	v55 =	vadd.s32 v23, v33;
	v56 =	vnsel vm0, $0x1FB, v27  }
0x6e: {  	[tilespmem:s30+$0x20] =	vst v42;
	vm3 =	vne.s32 v61, v30;
	v61 =	vadd.s32 v60, v36;
	v29 =	vshll.u32 v56, $0x4  }
0x6f: {  	[tilespmem:s30+$0xFFFFFFE0] =	vst v43;
	v63 =	vsel vm6, $0x1, v24;
	v38 =	vsel vm3, $0x1, v24;
	v58 =	vld.idx.msk [tilespmem:v52+s26+$0x0], $0xffff;
	v46 =	vadd.s32 v23, v29  }
0x70: {  	v41 =	vld [tilespmem:s28+$0x30];
	[tilespmem:s30+$0x40] =	vst v35;
	vm5 =	vlt.s32 v27, $0x200;
	v35 =	vadd.s32 v62, v61;
	v33 =	vadd.s32 v38, v27  }
0x71: {  	[tilespmem:s30+$0x10] =	vst v48;
	v39 =	vld.idx.msk [tilespmem:v53+s26+$0x0], $0xffff;
	v35 =	vadd.s32 v63, v35;
	vm7 =	vlt.s32 v33, $0x1FB;
	vm0 =	vlt.s32 v33, $0x200  }
0x72: {  	s31 =	simm.s32 $0xA0C0;
	[tilespmem:s30+$0x30] =	vst v40;
	vm6 =	vlt.s32 v33, $0x1FF;
	v59 =	vnsel vm7, $0x1FB, v33;
	vm7 =	vlt.s32 v47, $0x1FF;
	v36 =	vld.idx.msk [tilespmem:v55+s26+$0x0], $0xffff  }
0x73: {  	[tilespmem:s31+$0xFFFFFFD0] =	vst v37;
	v29 =	vld [tilespmem:s28+$0x40];
	v37 =	vnsel vm6, $0x1FF, v33;
	v34 =	vshll.u32 v59, $0x4;
	v40 =	vnsel vm7, $0x1FF, v47  }
0x74: {  	s3 =	simm.s32 $0x140;
	s1 =	simm.s32 $0x9;
	[tilespmem:s30+$0xFFFFFFF0] =	vst v45;
	v34 =	vadd.s32 v23, v34;
	v42 =	vsel vm1, v58, v44;
	vm1 =	vlt.s32 v27, $0x1FF;
	v38 =	vld.idx.msk [tilespmem:v46+s26+$0x0], $0xffff  }
.LBB2_4:
0x75: {  	v43 =	vld [tilespmem:s3+$0x40];
	s1 =	sadd.s32 $0x8, s1;
	vm6 =	vlt.s32 v26, $0x1FF;
	vm7 =	vlt.s32 v28, $0x1FF;
	v32 =	vsel vm4, v42, v32;
	[tilespmem:s30+$0x0] =	vst v25;
	v25 =	vmovc v40;
	s30 =	smov.u32 s31  }
0x76: {  	v39 =	vsel vm4, v39, v42;
	v42 =	vsel vm5, $0x1, v24;
	v40 =	vld [tilespmem:s3+$0xFFFFFFD0];
	p2 =	slt.u32 s1, $0x7F1;
	v31 =	vsel vm2, v32, v31  }
0x77: {  	v32 =	vsel vm2, v39, v32;
	v36 =	vsel vm2, v36, v39;
	v44 =	vld [tilespmem:s3+$0xFFFFFFE0];
	v30 =	vsel vm3, v31, v30  }
0x78: {  	v31 =	vsel vm3, v32, v31;
	v32 =	vsel vm3, v36, v32;
	vm4 =	vne.s32 v41, v30  }
0x79: {  	v39 =	vsel vm4, $0x1, v24;
	v30 =	vsel vm4, v31, v30;
	v31 =	vsel vm4, v32, v31  }
0x7a: {  	v35 =	vadd.s32 v42, v35;
	v36 =	vsel vm3, v38, v36;
	v41 =	vld [tilespmem:s3+$0xFFFFFFF0];
	vm2 =	vne.s32 v29, v30;
	v29 =	vmovc v43  }
0x7b: {  	v33 =	vadd.s32 v39, v33;
	v34 =	vld.idx.msk [tilespmem:v34+s26+$0x0], $0xffff;
	v38 =	vsel vm2, $0x1, v24;
	v30 =	vsel vm2, v31, v30  }
0x7c: {  	v32 =	vsel vm4, v36, v32;
	vm3 =	vne.s32 v40, v30;
	[tilespmem:s31+$0x20] =	vst v37;
	v37 =	vadd.s32 v38, v33  }
0x7d: {  	vm5 =	vlt.s32 v33, $0x1FB;
	v31 =	vsel vm2, v32, v31;
	v38 =	vsel vm3, $0x1, v24  }
0x7e: {  	v39 =	vnsel vm5, $0x1FB, v33;
	v30 =	vsel vm3, v31, v30;
	v38 =	vadd.s32 v38, v37  }
0x7f: {  	v39 =	vshll.u32 v39, $0x4;
	vm8 =	vlt.s32 v37, $0x1FB;
	vm5 =	vlt.s32 v38, $0x1FB  }
0x80: {  	v39 =	vadd.s32 v23, v39;
	v42 =	vnsel vm8, $0x1FB, v37;
	v40 =	vnsel vm5, $0x1FB, v38  }
0x81: {  	v34 =	vsel vm4, v34, v36;
	v36 =	vshll.u32 v42, $0x4;
	v40 =	vshll.u32 v40, $0x4  }
0x82: {  	v32 =	vsel vm2, v34, v32;
	v36 =	vadd.s32 v23, v36;
	v40 =	vadd.s32 v23, v40  }
0x83: {  	v42 =	vsel vm0, $0x1, v24;
	vm0 =	vlt.s32 v33, $0x200;
	vm4 =	vlt.s32 v37, $0x200  }
0x84: {  	v35 =	vadd.s32 v42, v35;
	v42 =	vsel vm0, $0x1, v24;
	v43 =	vsel vm4, $0x1, v24  }
0x85: {  	vm0 =	vlt.s32 v33, $0x1FF;
	vm4 =	vlt.s32 v37, $0x1FF;
	v35 =	vadd.s32 v42, v35;
	v39 =	vld.idx.msk [tilespmem:v39+s26+$0x0], $0xffff  }
0x86: {  	vm5 =	vlt.s32 v38, $0x200;
	v37 =	vnsel vm4, $0x1FF, v37;
	v35 =	vadd.s32 v43, v35  }
0x87: {  	v28 =	vnsel vm7, $0x1FF, v28;
	v42 =	vnsel vm6, $0x1FF, v26;
	v26 =	vnsel vm0, $0x1FF, v33;
	v33 =	vld.idx.msk [tilespmem:v36+s26+$0x0], $0xffff  }
0x88: {  	v31 =	vsel vm3, v32, v31;
	vm4 =	vlt.s32 v38, $0x1FF;
	vm0 =	vne.s32 v44, v30;
	[tilespmem:s31+$0x30] =	vst v26  }
0x89: {  	v30 =	vsel vm0, v31, v30;
	v36 =	vnsel vm4, $0x1FF, v38;
	v26 =	vsel vm0, $0x1, v24;
	v40 =	vld.idx.msk [tilespmem:v40+s26+$0x0], $0xffff;
	[tilespmem:s31+$0x40] =	vst v37  }
0x8a: {  	vm6 =	vne.s32 v41, v30;
	v26 =	vadd.s32 v26, v38;
	v37 =	vld [tilespmem:s3+$0x0];
	[tilespmem:s31+$0xFFFFFFF0] =	vst v28  }
0x8b: {  	vm4 =	vlt.s32 v26, $0x1FB;
	v28 =	vsel vm6, $0x1, v24;
	v34 =	vsel vm2, v39, v34;
	s31 =	sadd.s32 $0x80, s31;
	[tilespmem:s30+$0xFFFFFFE0] =	vst v42  }
0x8c: {  	v32 =	vsel vm3, v34, v32;
	v28 =	vadd.s32 v28, v26;
	v33 =	vsel vm3, v33, v34;
	[tilespmem:s31+$0xFFFFFFD0] =	vst v36;
	v34 =	vld [tilespmem:s3+$0x10]  }
0x8d: {  	v31 =	vsel vm0, v32, v31;
	vm2 =	vlt.s32 v28, $0x1FB;
	v32 =	vsel vm0, v33, v32  }
0x8e: {  	v30 =	vsel vm6, v31, v30;
	v36 =	vnsel vm2, $0x1FB, v28;
	v31 =	vsel vm6, v32, v31  }
0x8f: {  	v38 =	vsel vm0, v40, v33;
	v33 =	vnsel vm4, $0x1FB, v26;
	vm4 =	vne.s32 v37, v30  }
0x90: {  	vm7 =	vlt.s32 v28, $0x200;
	v36 =	vshll.u32 v36, $0x4;
	v30 =	vsel vm4, v31, v30;
	v37 =	vld [tilespmem:s3+$0x20]  }
0x91: {  	v32 =	vsel vm6, v38, v32;
	v39 =	vsel vm4, $0x1, v24;
	vm2 =	vne.s32 v34, v30  }
0x92: {  	v33 =	vshll.u32 v33, $0x4;
	v31 =	vsel vm4, v32, v31;
	v34 =	vsel vm2, $0x1, v24  }
0x93: {  	v40 =	vadd.s32 v39, v28;
	v39 =	vnsel vm1, $0x1FF, v27;
	v30 =	vsel vm2, v31, v30  }
0x94: {  	v41 =	vadd.s32 v23, v33;
	vm0 =	vlt.s32 v40, $0x1FB;
	v27 =	vadd.s32 v34, v40;
	[tilespmem:s30+$0x10] =	vst v39  }
0x95: {  	v34 =	vadd.s32 v23, v36;
	v33 =	vnsel vm0, $0x1FB, v40;
	vm3 =	vne.s32 v37, v30  }
0x96: {  	v33 =	vshll.u32 v33, $0x4;
	vm0 =	vlt.s32 v27, $0x1FB;
	v36 =	vsel vm3, $0x1, v24  }
0x97: {  	v37 =	vadd.s32 v23, v33;
	v39 =	vnsel vm0, $0x1FB, v27;
	v33 =	vadd.s32 v36, v27  }
0x98: {  	v36 =	vshll.u32 v39, $0x4;
	vm1 =	vlt.s32 v33, $0x1FB;
	vm0 =	vlt.s32 v33, $0x200  }
0x99: {  	v43 =	vadd.s32 v23, v36;
	v42 =	vld.idx.msk [tilespmem:v41+s26+$0x0], $0xffff;
	v41 =	vsel vm7, $0x1, v24;
	v36 =	vnsel vm1, $0x1FB, v33  }
0x9a: {  	v39 =	vsel vm5, $0x1, v24;
	vm1 =	vlt.s32 v26, $0x200;
	v36 =	vshll.u32 v36, $0x4  }
.Ltmp4:
0x9b: {  	v35 =	vadd.s32 v39, v35;
	v44 =	vsel vm1, $0x1, v24;
	v39 =	vld.idx.msk [tilespmem:v34+s26+$0x0], $0xffff;
	v34 =	vadd.s32 v23, v36;
	(pc) =	sbr.rel @p2 .LBB2_4-.Ltmp4, $4  }
0x9c: {  	vm5 =	vlt.s32 v27, $0x200;
	vm1 =	vlt.s32 v40, $0x200;
	v35 =	vadd.s32 v44, v35;
	v36 =	vld.idx.msk [tilespmem:v37+s26+$0x0], $0xffff  }
0x9d: {  	v35 =	vadd.s32 v41, v35;
	v37 =	vsel vm1, $0x1, v24;
	vm1 =	vlt.s32 v33, $0x1FF  }
0x9e: {  	vm7 =	vlt.s32 v40, $0x1FF;
	v35 =	vadd.s32 v37, v35;
	v37 =	vnsel vm1, $0x1FF, v33;
	v41 =	vld [tilespmem:s3+$0x30]  }
0x9f: {  	v40 =	vnsel vm7, $0x1FF, v40;
	vm1 =	vlt.s32 v27, $0x1FF;
	v42 =	vsel vm6, v42, v38;
	s3 =	sadd.s32 $0x80, s3;
	v38 =	vld.idx.msk [tilespmem:v43+s26+$0x0], $0xffff  }
0xa0: {  	v32 =	vsel vm4, v42, v32  }
0xa1: {  	v39 =	vsel vm4, v39, v42;
	v31 =	vsel vm2, v32, v31  }
0xa2: {  	v32 =	vsel vm2, v39, v32;
	v30 =	vsel vm3, v31, v30  }
0xa3: {  	v31 =	vsel vm3, v32, v31;
	vm6 =	vne.s32 v41, v30  }
0xa4: {  	v30 =	vsel vm6, v31, v30  }
0xa5: {  	v41 =	vsel vm6, $0x1, v24;
	vm9 =	vne.s32 v29, v30  }
0xa6: {  	v29 =	vadd.s32 v41, v33;
	v52 =	vsel vm9, $0x1, v24  }
0xa7: {  	vm7 =	vlt.s32 v29, $0x1FB;
	v33 =	vadd.s32 v52, v29  }
0xa8: {  	v41 =	vnsel vm7, $0x1FB, v29;
	vm10 =	vlt.s32 v33, $0x1FB  }
0xa9: {  	[tilespmem:s30+$0x0] =	vst v25;
	v41 =	vshll.u32 v41, $0x4;
	v53 =	vnsel vm10, $0x1FB, v33  }
0xaa: {  	v25 =	vld.idx.msk [tilespmem:v34+s26+$0x0], $0xffff;
	[tilespmem:s31+$0x20] =	vst v37;
	vm13 =	vlt.s32 v28, $0x1FF;
	v41 =	vadd.s32 v23, v41;
	v42 =	vshll.u32 v53, $0x4  }
0xab: {  	vm14 =	vlt.s32 v26, $0x1FF;
	[tilespmem:s31+$0x0] =	vst v40;
	v28 =	vnsel vm13, $0x1FF, v28;
	v42 =	vadd.s32 v23, v42  }
0xac: {  	v26 =	vnsel vm14, $0x1FF, v26;
	[tilespmem:s31+$0xFFFFFFF0] =	vst v28  }
0xad: {  	[tilespmem:s31+$0xFFFFFFE0] =	vst v26;
	v26 =	vnsel vm1, $0x1FF, v27;
	vm11 =	vlt.s32 v29, $0x1FF  }
0xae: {  	[tilespmem:s31+$0x10] =	vst v26;
	v55 =	vnsel vm11, $0x1FF, v29;
	vm12 =	vlt.s32 v33, $0x1FF  }
0xaf: {  	v56 =	vnsel vm12, $0x1FF, v33;
	v54 =	vld.idx.msk [tilespmem:v41+s26+$0x0], $0xffff;
	[tilespmem:s31+$0x30] =	vst v55  }
0xb0: {  	s1 =	simm.s32 $0x0;
	v26 =	vsel vm2, v36, v39;
	v42 =	vld.idx.msk [tilespmem:v42+s26+$0x0], $0xffff;
	[tilespmem:s31+$0x40] =	vst v56  }
0xb1: {  	v57 =	vsel vm5, $0x1, v24;
	v27 =	vsel vm3, v26, v32;
	v28 =	vld [tilespmem:s1+$0x7F90]  }
0xb2: {  	v26 =	vsel vm3, v38, v26;
	v32 =	vadd.s32 v57, v35;
	v31 =	vsel vm6, v27, v31  }
0xb3: {  	v27 =	vsel vm6, v26, v27;
	v26 =	vsel vm6, v25, v26;
	v25 =	vsel vm0, $0x1, v24  }
0xb4: {  	v30 =	vsel vm9, v31, v30;
	v31 =	vsel vm9, v27, v31;
	vm0 =	vlt.s32 v29, $0x200  }
0xb5: {  	v25 =	vadd.s32 v25, v32;
	v29 =	vsel vm0, $0x1, v24;
	vm1 =	vlt.s32 v33, $0x200  }
0xb6: {  	s3 =	simm.s32 $0x10;
	v25 =	vadd.s32 v29, v25;
	v58 =	vsel vm1, $0x1, v24;
	vm0 =	vne.s32 v28, v30  }
0xb7: {  	v27 =	vsel vm9, v26, v27;
	v25 =	vadd.s32 v58, v25;
	v29 =	vld [tilespmem:s3+$0x7F90];
	v28 =	vsel vm0, $0x1, v24  }
0xb8: {  	v34 =	vsel vm9, v54, v26;
	v30 =	vsel vm0, v31, v30;
	v59 =	vadd.s32 v28, v33  }
0xb9: {  	v31 =	vsel vm0, v27, v31;
	vm0 =	vmmov vm0;
	vm1 =	vlt.s32 v59, $0x1FB  }
0xba: {  	v60 =	vsel vm0, v34, v27;
	vm2 =	vlt.s32 v59, $0x1FF;
	v28 =	vnsel vm1, $0x1FB, v59  }
0xbb: {  	vm3 =	vlt.s32 v59, $0x200;
	v26 =	vnsel vm2, $0x1FF, v59;
	v27 =	vshll.u32 v28, $0x4  }
0xbc: {  	s4 =	simm.s32 $0x20;
	vm1 =	vne.s32 v29, v30;
	vm2 =	vmmov vm0;
	v61 =	vadd.s32 v23, v27  }
0xbd: {  	v32 =	vld [tilespmem:s4+$0x7F90];
	v28 =	vsel vm3, $0x1, v24;
	v62 =	vsel vm1, $0x1, v24;
	vm0 =	vmmov vm1  }
0xbe: {  	v33 =	vsel vm2, v42, v34;
	v27 =	vsel vm1, v31, v30;
	v30 =	vadd.s32 v62, v59  }
0xbf: {  	v29 =	vsel vm1, v60, v31;
	v34 =	vsel vm0, v33, v60;
	vm3 =	vlt.s32 v30, $0x1FB  }
0xc0: {  	vm1 =	vlt.s32 v30, $0x1FF;
	vm15 =	vlt.s32 v30, $0x200;
	v63 =	vnsel vm3, $0x1FB, v30  }
0xc1: {  	s7 =	simm.s32 $0x30;
	s8 =	simm.s32 $0x100;
	v31 =	vnsel vm1, $0x1FF, v30;
	v35 =	vsel vm15, $0x1, v24;
	v37 =	vshll.u32 v63, $0x4;
	v36 =	vld.idx.msk [tilespmem:v61+s26+$0x0], $0xffff  }
.LBB2_6:
0xc2: {  	s12 =	sshra.s32 s8, $0x2;
	p2 =	sne.s32 s8, $0x180;
	s8 =	sadd.s32 $0x40, s8;
	vm1 =	vne.s32 v32, v27;
	v38 =	vadd.s32 v23, v37;
	[tilespmem:s1+$0x11F90] =	vst v26;
	v25 =	vadd.s32 v28, v25  }
.Ltmp5:
0xc3: {  	v26 =	vmovc v31;
	v28 =	vmovc v35;
	s1 =	smov.u32 s3;
	s3 =	smov.u32 s4;
	v32 =	vld [tilespmem:s7+$0x7F90];
	v37 =	vsel vm1, $0x1, v24;
	v27 =	vsel vm1, v29, v27;
	v29 =	vsel vm1, v34, v29;
	(pc) =	sbr.rel @p2 .LBB2_6-.Ltmp5, $4  }
0xc4: {  	vm2 =	vmmov vm0;
	s4 =	smov.u32 s7;
	vm0 =	vmmov vm1;
	s7 =	smov.u32 s12;
	v30 =	vadd.s32 v37, v30  }
0xc5: {  	vm1 =	vlt.s32 v30, $0x1FF;
	vm3 =	vlt.s32 v30, $0x1FB;
	vm4 =	vlt.s32 v30, $0x200  }
0xc6: {  	v31 =	vnsel vm1, $0x1FF, v30;
	v35 =	vnsel vm3, $0x1FB, v30;
	v33 =	vsel vm2, v36, v33  }
0xc7: {  	v34 =	vsel vm0, v33, v34;
	v37 =	vshll.u32 v35, $0x4;
	v35 =	vsel vm4, $0x1, v24;
	v36 =	vld.idx.msk [tilespmem:v38+s26+$0x0], $0xffff  }
0xc8: {  	v33 =	vld [tilespmem:s7+$0x7F90];
	_ =	sdelay $0x1  }
0xc9: {  	vm0 =	vne.s32 v32, v27  }
0xca: {  	v25 =	vadd.s32 v28, v25;
	v53 =	vmul.u32 $0x10, v0;
	v32 =	vsel vm0, $0x1, v24  }
0xcb: {  	v27 =	vsel vm0, v29, v27;
	v25 =	vadd.s32 v35, v25;
	v52 =	vadd.s32 v32, v30  }
0xcc: {  	[tilespmem:s1+$0x11F90] =	vst v26;
	v26 =	vor.u32 $0x1, v53;
	v55 =	vor.u32 $0x2, v53;
	vm1 =	vne.s32 v33, v27  }
0xcd: {  	v57 =	vor.u32 $0x3, v53;
	vm12 =	vlt.s32 v52, $0x1FF;
	v27 =	vsel vm1, $0x1, v24  }
0xce: {  	vm13 =	vlt.s32 v52, $0x200;
	v30 =	vnsel vm12, $0x1FF, v52;
	v27 =	vadd.s32 v27, v52  }
0xcf: {  	[tilespmem:s3+$0x11F90] =	vst v31;
	v54 =	vsel vm13, $0x1, v24;
	vm14 =	vlt.s32 v27, $0x1FF;
	vm15 =	vlt.s32 v27, $0x200  }
0xd0: {  	[tilespmem:s4+$0x11F90] =	vst v30;
	v25 =	vadd.s32 v54, v25;
	v27 =	vnsel vm14, $0x1FF, v27;
	v56 =	vsel vm15, $0x1, v24  }
0xd1: {  	[tilespmem:s7+$0x11F90] =	vst v27;
	v25 =	vadd.s32 v56, v25;
	v27 =	vor.u32 $0x4, v53  }
0xd2: {  	v58 =	vor.u32 $0x5, v53;
	[tilespmem:v53+s17+$0x0] =	vst.idx.msk $0xffff, v25  }
0xd3: {  	[tilespmem:v26+s17+$0x0] =	vst.idx.msk $0xffff, v25;
	v26 =	vor.u32 $0x6, v53  }
0xd4: {  	v59 =	vor.u32 $0x7, v53;
	[tilespmem:v55+s17+$0x0] =	vst.idx.msk $0xffff, v25  }
0xd5: {  	v60 =	vor.u32 $0x8, v53;
	[tilespmem:v57+s17+$0x0] =	vst.idx.msk $0xffff, v25  }
0xd6: {  	[tilespmem:v27+s17+$0x0] =	vst.idx.msk $0xffff, v25;
	v27 =	vor.u32 $0x9, v53  }
0xd7: {  	v61 =	vor.u32 $0xA, v53;
	[tilespmem:v58+s17+$0x0] =	vst.idx.msk $0xffff, v25  }
0xd8: {  	[tilespmem:v26+s17+$0x0] =	vst.idx.msk $0xffff, v25;
	v26 =	vor.u32 $0xB, v53  }
0xd9: {  	v62 =	vor.u32 $0xC, v53;
	[tilespmem:v59+s17+$0x0] =	vst.idx.msk $0xffff, v25  }
0xda: {  	v63 =	vor.u32 $0xD, v53;
	[tilespmem:v60+s17+$0x0] =	vst.idx.msk $0xffff, v25  }
0xdb: {  	[tilespmem:v27+s17+$0x0] =	vst.idx.msk $0xffff, v25;
	v27 =	vor.u32 $0xE, v53  }
0xdc: {  	v28 =	vor.u32 $0xF, v53;
	[tilespmem:v61+s17+$0x0] =	vst.idx.msk $0xffff, v25  }
0xdd: {  	[tilespmem:v26+s17+$0x0] =	vst.idx.msk $0xffff, v25  }
0xde: {  	[tilespmem:v62+s17+$0x0] =	vst.idx.msk $0xffff, v25  }
0xdf: {  	[tilespmem:v63+s17+$0x0] =	vst.idx.msk $0xffff, v25  }
0xe0: {  	[tilespmem:v27+s17+$0x0] =	vst.idx.msk $0xffff, v25  }
0xe1: {  	s28 =	rddreg [dreg:$0x3];
	s30 =	simm.s32 $0xA000;
	[tilespmem:v28+s17+$0x0] =	vst.idx.msk $0xffff, v25  }
0xe2: {  	[spmem:s28] =	stream.linear.scatter [tilespmem:s30], [sflag:$0x2], $0x8000, $0x38;
	[tilespmem:$0x1B610] =	vst v63  }
0xe3: {  	_ =	swait.ge [sflag:s16], $0x8000  }
0xe4: {  	[sflag:s16] =	ssyncset.done $0x0  }
0xe5: {  	[sflag:s16] =	ssyncadd.s32 $0xFFFF8000  }
.Ltmp6:
0xe6: {  	s31 =	rddreg [dreg:$0x4];
	(pc) =	sbr.rel .LBB2_11-.Ltmp6, $4  }
0xe7: {  	[spmem:s31] =	stream.linear.scatter [tilespmem:s17], [sflag:$0x2], $0x100, $0x38;
	[tilespmem:$0x1B610] =	vst v63  }
0xe8: {  	_ =	swait.ge [sflag:s16], $0x100  }
0xe9: {  	[sflag:s16] =	ssyncset.done $0x0  }
0xea: {  	[sflag:s16] =	ssyncadd.s32 $0xFFFFFF00  }
.LBB2_8:
0xeb: {  	s1 =	sshra.s32 s6, $0x2;
	s3 =	sadd.s32 $0x200, s6  }
.LBB2_9:
0xec: {  	p2 =	sne.s32 s3, $0x1FE00;
	[tilespmem:s1+$0x12670] =	vst v3  }
0xed: {  	[tilespmem:s1+$0x12600] =	vst v3  }
0xee: {  	[tilespmem:s1+$0x12610] =	vst v3  }
.Ltmp7:
0xef: {  	[tilespmem:s1+$0x12620] =	vst v3;
	(pc) =	sbr.rel @p2 .LBB2_9-.Ltmp7, $4  }
0xf0: {  	[tilespmem:s1+$0x12630] =	vst v3  }
0xf1: {  	[tilespmem:s1+$0x12640] =	vst v3  }
0xf2: {  	[tilespmem:s1+$0x12650] =	vst v3  }
0xf3: {  	[tilespmem:s1+$0x12660] =	vst v3;
	s1 =	sshra.s32 s3, $0x2;
	s3 =	sadd.s32 $0x200, s3  }
0xf4: {  	[tilespmem:s1+$0x12670] =	vst v3  }
0xf5: {  	[tilespmem:s1+$0x12600] =	vst v3  }
0xf6: {  	[tilespmem:s1+$0x12610] =	vst v3  }
0xf7: {  	[tilespmem:s1+$0x12620] =	vst v3  }
0xf8: {  	[tilespmem:s1+$0x12630] =	vst v3  }
0xf9: {  	[tilespmem:s1+$0x12640] =	vst v3  }
0xfa: {  	[tilespmem:s1+$0x12650] =	vst v3  }
0xfb: {  	[tilespmem:s1+$0x12660] =	vst v3  }
0xfc: {  	[spmem:s5] =	stream.linear.scatter [tilespmem:s15], [sflag:$0x2], $0x8000, $0x38;
	[tilespmem:$0x1B610] =	vst v63  }
0xfd: {  	_ =	swait.ge [sflag:s16], $0x8000  }
0xfe: {  	[sflag:s16] =	ssyncset.done $0x0  }
0xff: {  	[sflag:s16] =	ssyncadd.s32 $0xFFFF8000  }
.LBB2_11:
0x100: {  	[bflag:$0x0] =	sbarrier.arrive $0xFFFF  }
0x101: {  	s1 =	rddreg [dreg:$0x4]  }
0x102: {  	[tilespmem:s17], [sflag:$0x2] =	stream.linear.gather [spmem:s1], $0x100, $0x38;
	[tilespmem:$0x1B610] =	vst v63  }
0x103: {  	_ =	swait.ge [sflag:s16], $0x100  }
0x104: {  	[sflag:s16] =	ssyncset.done $0x0  }
0x105: {  	[sflag:s16] =	ssyncadd.s32 $0xFFFFFF00  }
0x106: {  	v25 =	vld [tilespmem:s18+$0x12000];
	_ =	sdelay $0x4  }
0x107: {  	(v2sf) =	vpush v25, $0x0;
	_ =	sdelay $0xc  }
.Ltmp8:
0x108: {  	_ = 	snop;
	(pc) =	sbr.rel .LBB2_12-.Ltmp8, $4  }
0x109: {  	_ = 	snop  }
0x10a: {  	s30 =	spop (v2sf)  }
0x10b: {  	s3 =	rddreg [dreg:$0xb];
	s14 =	sshll.u32 s30, $0x1  }
0x10c: {  	s1 =	simm.s32 $0x0;
	s28 =	rddreg [dreg:$0xa];
	s31 =	sadd.s32 s14, s3  }
.LBB2_20:
0x10d: {  	s3 =	sshll.u32 s3, $0x4  }
0x10e: {  	s4 =	sshll.u32 s9, $0x6;
	s3 =	sand.u32 $0x1FFFF000, s3  }
0x10f: {  	s7 =	sshrl.u32 s5, $0x3;
	s4 =	sor.u32 $0x1C02, s4;
	s3 =	sadd.s32 s2, s3  }
0x110: {  	[hbm:s3], [sflag:s4] =	dma.local [spmem:s7], $0x1000  }
0x111: {  	_ =	swait.ge [sflag:s16], $0x1000  }
0x112: {  	[sflag:s16] =	ssyncset.done $0x0  }
0x113: {  	[sflag:s16] =	ssyncadd.s32 $0xFFFFF000  }
.LBB2_21:
0x114: {  	s1 =	sadd.s32 $0x1, s1  }
0x115: {  	p2 =	sne.s32 s1, $0x8  }
.Ltmp9:
0x116: {  	_ = 	snop;
	(pc) =	sbr.rel @!p2 .LBB2_22-.Ltmp9, $2  }
0x117: {  	_ =	sdelay $0x2  }
0x118: {  	s28 =	sadd.s32 $0x800, s28;
	s31 =	sadd.s32 $0xFFFFFF00, s31  }
.LBB2_12:
0x119: {  	s3 =	sshll.u32 s1, $0x7  }
0x11a: {  	s3 =	sadd.s32 s10, s3  }
0x11b: {  	s7 =	ssub.s32 s30, s3  }
0x11c: {  	p2 =	slt.s32 s7, $0x1  }
.Ltmp10:
0x11d: {  	_ = 	snop;
	(pc) =	sbr.rel @p2 .LBB2_20-.Ltmp10, $3  }
0x11e: {  	_ =	sdelay $0x1  }
0x11f: {  	s3 =	sshll.u32 s3, $0x1  }
0x120: {  	s3 =	sadd.s32 s11, s3  }
0x121: {  	s4 =	sshrl.u32 s31, $0x4  }
0x122: {  	s8 =	simm.s32 $0x12100;
	s4 =	sand.u32 $0xF, s4  }
0x123: {  	[tilespmem:s8], [sflag:$0x3] =	stream.linear.gather [spmem:s28], $0x1, $0x38;
	[tilespmem:$0x1B610] =	vst v63  }
0x124: {  	s13 =	smov.u32 s28;
	s14 =	sshll.u32 s4, $0x4;
	s12 =	sshll.u32 s4, $0xB  }
0x125: {  	s4 =	sadd.s32 $0xFFFFFFFF, s14;
	s8 =	sadd.s32 $0x12640, s12;
	s12 =	simm.s32 $0x20  }
.LBB2_14:
0x126: {  	p2 =	sne.s32 s12, $0xFE0  }
.Ltmp11:
0x127: {  	_ = 	snop;
	(pc) =	sbr.rel @p2 .LBB2_14-.Ltmp11, $4  }
0x128: {  	_ = 	snop  }
0x129: {  	s14 =	sshra.s32 s12, $0x2;
	s12 =	sadd.s32 $0x20, s12  }
0x12a: {  	s13 =	sadd.s32 $0x10, s13;
	s14 =	sadd.s32 $0x12100, s14  }
0x12b: {  	[tilespmem:s14], [sflag:$0x3] =	stream.linear.gather [spmem:s13], $0x1, $0x38;
	[tilespmem:$0x1B610] =	vst v63  }
0x12c: {  	_ = 	snop  }
0x12d: {  	_ =	swait.ge [sflag:s19], $0x80  }
0x12e: {  	[sflag:s19] =	ssyncset.done $0x0  }
0x12f: {  	[sflag:s19] =	ssyncadd.s32 $0xFFFFFF80  }
0x130: {  	v25 =	vld.idx.msk [tilespmem:v1+s20+$0x0], $0xffff;
	_ =	sdelay $0x4  }
0x131: {  	v26 =	vshll.u32 v25, $0x1  }
0x132: {  	v26 =	vand.u32 $0xFFFFFFF0, v26  }
0x133: {  	v25 =	vand.u32 $0x7, v25;
	v26 =	vadd.s32 v2, v26  }
0x134: {  	v25 =	vor.u32 v25, v26  }
0x135: {  	v25 =	vor.u32 v4, v25  }
0x136: {  	[tilespmem:$0x12500] =	vst v25  }
0x137: {  	v25 =	vld.idx.msk [tilespmem:v5+s20+$0x0], $0xffff;
	_ =	sdelay $0x4  }
0x138: {  	v26 =	vshll.u32 v25, $0x1  }
0x139: {  	v26 =	vand.u32 $0xFFFFFFF0, v26  }
0x13a: {  	v25 =	vand.u32 $0x7, v25;
	v26 =	vadd.s32 v2, v26  }
0x13b: {  	v25 =	vor.u32 v25, v26  }
0x13c: {  	v25 =	vor.u32 v4, v25  }
0x13d: {  	[tilespmem:$0x12510] =	vst v25  }
0x13e: {  	v25 =	vld.idx.msk [tilespmem:v6+s20+$0x0], $0xffff;
	_ =	sdelay $0x4  }
0x13f: {  	v26 =	vshll.u32 v25, $0x1  }
0x140: {  	v26 =	vand.u32 $0xFFFFFFF0, v26  }
0x141: {  	v25 =	vand.u32 $0x7, v25;
	v26 =	vadd.s32 v2, v26  }
0x142: {  	v25 =	vor.u32 v25, v26  }
0x143: {  	v25 =	vor.u32 v4, v25  }
0x144: {  	[tilespmem:$0x12520] =	vst v25  }
0x145: {  	v25 =	vld.idx.msk [tilespmem:v7+s20+$0x0], $0xffff;
	_ =	sdelay $0x4  }
0x146: {  	v26 =	vshll.u32 v25, $0x1  }
0x147: {  	v26 =	vand.u32 $0xFFFFFFF0, v26  }
0x148: {  	v25 =	vand.u32 $0x7, v25;
	v26 =	vadd.s32 v2, v26  }
0x149: {  	v25 =	vor.u32 v25, v26  }
0x14a: {  	v25 =	vor.u32 v4, v25  }
0x14b: {  	[tilespmem:$0x12530] =	vst v25  }
0x14c: {  	v25 =	vld.idx.msk [tilespmem:v8+s20+$0x0], $0xffff;
	_ =	sdelay $0x4  }
0x14d: {  	v26 =	vshll.u32 v25, $0x1  }
0x14e: {  	v26 =	vand.u32 $0xFFFFFFF0, v26  }
0x14f: {  	v25 =	vand.u32 $0x7, v25;
	v26 =	vadd.s32 v2, v26  }
0x150: {  	v25 =	vor.u32 v25, v26  }
0x151: {  	v25 =	vor.u32 v4, v25  }
0x152: {  	[tilespmem:$0x12540] =	vst v25  }
0x153: {  	v25 =	vld.idx.msk [tilespmem:v9+s20+$0x0], $0xffff;
	_ =	sdelay $0x4  }
0x154: {  	v26 =	vshll.u32 v25, $0x1  }
0x155: {  	v26 =	vand.u32 $0xFFFFFFF0, v26  }
0x156: {  	v25 =	vand.u32 $0x7, v25;
	v26 =	vadd.s32 v2, v26  }
0x157: {  	v25 =	vor.u32 v25, v26  }
0x158: {  	v25 =	vor.u32 v4, v25  }
0x159: {  	[tilespmem:$0x12550] =	vst v25  }
0x15a: {  	v25 =	vld.idx.msk [tilespmem:v10+s20+$0x0], $0xffff;
	_ =	sdelay $0x4  }
0x15b: {  	v26 =	vshll.u32 v25, $0x1  }
0x15c: {  	v26 =	vand.u32 $0xFFFFFFF0, v26  }
0x15d: {  	v25 =	vand.u32 $0x7, v25;
	v26 =	vadd.s32 v2, v26  }
0x15e: {  	v25 =	vor.u32 v25, v26  }
0x15f: {  	v25 =	vor.u32 v4, v25  }
0x160: {  	[tilespmem:$0x12560] =	vst v25  }
0x161: {  	v25 =	vld.idx.msk [tilespmem:v11+s20+$0x0], $0xffff;
	_ =	sdelay $0x4  }
0x162: {  	v26 =	vshll.u32 v25, $0x1  }
0x163: {  	v26 =	vand.u32 $0xFFFFFFF0, v26  }
0x164: {  	v25 =	vand.u32 $0x7, v25;
	v26 =	vadd.s32 v2, v26  }
0x165: {  	v25 =	vor.u32 v25, v26  }
0x166: {  	v25 =	vor.u32 v4, v25  }
0x167: {  	[tilespmem:$0x12570] =	vst v25  }
0x168: {  	v25 =	vld.idx.msk [tilespmem:v12+s20+$0x0], $0xffff;
	_ =	sdelay $0x4  }
0x169: {  	v26 =	vshll.u32 v25, $0x1  }
0x16a: {  	v26 =	vand.u32 $0xFFFFFFF0, v26  }
0x16b: {  	v25 =	vand.u32 $0x7, v25;
	v26 =	vadd.s32 v2, v26  }
0x16c: {  	v25 =	vor.u32 v25, v26  }
0x16d: {  	v25 =	vor.u32 v4, v25  }
0x16e: {  	[tilespmem:$0x12580] =	vst v25  }
0x16f: {  	v25 =	vld.idx.msk [tilespmem:v13+s20+$0x0], $0xffff;
	_ =	sdelay $0x4  }
0x170: {  	v26 =	vshll.u32 v25, $0x1  }
0x171: {  	v26 =	vand.u32 $0xFFFFFFF0, v26  }
0x172: {  	v25 =	vand.u32 $0x7, v25;
	v26 =	vadd.s32 v2, v26  }
0x173: {  	v25 =	vor.u32 v25, v26  }
0x174: {  	v25 =	vor.u32 v4, v25  }
0x175: {  	[tilespmem:$0x12590] =	vst v25  }
0x176: {  	v25 =	vld.idx.msk [tilespmem:v14+s20+$0x0], $0xffff;
	_ =	sdelay $0x4  }
0x177: {  	v26 =	vshll.u32 v25, $0x1  }
0x178: {  	v26 =	vand.u32 $0xFFFFFFF0, v26  }
0x179: {  	v25 =	vand.u32 $0x7, v25;
	v26 =	vadd.s32 v2, v26  }
0x17a: {  	v25 =	vor.u32 v25, v26  }
0x17b: {  	v25 =	vor.u32 v4, v25  }
0x17c: {  	[tilespmem:$0x125A0] =	vst v25  }
0x17d: {  	v25 =	vld.idx.msk [tilespmem:v15+s20+$0x0], $0xffff;
	_ =	sdelay $0x4  }
0x17e: {  	v26 =	vshll.u32 v25, $0x1  }
0x17f: {  	v26 =	vand.u32 $0xFFFFFFF0, v26  }
0x180: {  	v25 =	vand.u32 $0x7, v25;
	v26 =	vadd.s32 v2, v26  }
0x181: {  	v25 =	vor.u32 v25, v26  }
0x182: {  	v25 =	vor.u32 v4, v25  }
0x183: {  	[tilespmem:$0x125B0] =	vst v25  }
0x184: {  	v25 =	vld.idx.msk [tilespmem:v16+s20+$0x0], $0xffff;
	_ =	sdelay $0x4  }
0x185: {  	v26 =	vshll.u32 v25, $0x1  }
0x186: {  	v26 =	vand.u32 $0xFFFFFFF0, v26  }
0x187: {  	v25 =	vand.u32 $0x7, v25;
	v26 =	vadd.s32 v2, v26  }
0x188: {  	v25 =	vor.u32 v25, v26  }
0x189: {  	v25 =	vor.u32 v4, v25  }
0x18a: {  	[tilespmem:$0x125C0] =	vst v25  }
0x18b: {  	v25 =	vld.idx.msk [tilespmem:v17+s20+$0x0], $0xffff;
	_ =	sdelay $0x4  }
0x18c: {  	v26 =	vshll.u32 v25, $0x1  }
0x18d: {  	v26 =	vand.u32 $0xFFFFFFF0, v26  }
0x18e: {  	v25 =	vand.u32 $0x7, v25;
	v26 =	vadd.s32 v2, v26  }
0x18f: {  	v25 =	vor.u32 v25, v26  }
0x190: {  	v25 =	vor.u32 v4, v25  }
0x191: {  	[tilespmem:$0x125D0] =	vst v25  }
0x192: {  	v25 =	vld.idx.msk [tilespmem:v18+s20+$0x0], $0xffff;
	_ =	sdelay $0x4  }
0x193: {  	v26 =	vshll.u32 v25, $0x1  }
0x194: {  	v26 =	vand.u32 $0xFFFFFFF0, v26  }
0x195: {  	v25 =	vand.u32 $0x7, v25;
	v26 =	vadd.s32 v2, v26  }
0x196: {  	v25 =	vor.u32 v25, v26  }
0x197: {  	v25 =	vor.u32 v4, v25  }
0x198: {  	[tilespmem:$0x125E0] =	vst v25  }
0x199: {  	v25 =	vld.idx.msk [tilespmem:v19+s20+$0x0], $0xffff;
	_ =	sdelay $0x4  }
0x19a: {  	v26 =	vshll.u32 v25, $0x1  }
0x19b: {  	v26 =	vand.u32 $0xFFFFFFF0, v26  }
0x19c: {  	v25 =	vand.u32 $0x7, v25;
	v26 =	vadd.s32 v2, v26  }
0x19d: {  	v25 =	vor.u32 v25, v26  }
0x19e: {  	v25 =	vor.u32 v4, v25  }
0x19f: {  	[tilespmem:$0x125F0] =	vst v25  }
0x1a0: {  	[tilespmem:s15], [sflag:$0x1] =	stream.indirect.gather [hbm4b:s0+s21], $0x80, s22, s21, $0xb8;
	[tilespmem:$0x1B610] =	vst v63  }
0x1a1: {  	_ = 	snop  }
0x1a2: {  	[tilespmem:s24], [sflag:$0x1] =	stream.indirect.gather [hbm4b:s0+s21], $0x80, s23, s21, $0xb8;
	[tilespmem:$0x1B610] =	vst v63  }
0x1a3: {  	p2 =	sgt.u32 s7, $0x7F;
	_ =	swait.ge [sflag:s25], $0x4000  }
.Ltmp12:
0x1a4: {  	[sflag:s25] =	ssyncset.done $0x0;
	(pc) =	sbr.rel @p2 .LBB2_19-.Ltmp12, $4  }
0x1a5: {  	[sflag:s25] =	ssyncadd.s32 $0xFFFFC000  }
0x1a6: {  	_ =	swait.ge [sflag:s25], $0x4000  }
0x1a7: {  	[sflag:s25] =	ssyncset.done $0x0  }
0x1a8: {  	[sflag:s25] =	ssyncadd.s32 $0xFFFFC000  }
0x1a9: {  	s4 =	sadd.s32 $0x1, s4  }
0x1aa: {  	s12 =	sshrl.u32 s4, $0x1  }
0x1ab: {  	s13 =	sand.u32 $0x7, s4;
	p3 =	slt.u32 s4, $0xFF;
	s12 =	sand.u32 $0x78, s12  }
.Ltmp13:
0x1ac: {  	s12 =	sor.u32 s13, s12;
	(pc) =	sbr.rel @!p3 .LBB2_18-.Ltmp13, $4  }
0x1ad: {  	p2 =	slt.s32 s12, s7  }
0x1ae: {  	v25 =	vimm.f32 @!p2 $0.0e+00;
	p2 =	por p2, p2  }
0x1af: {  	[tilespmem:s8+$0x30] =	vst @!p2 v25  }
0x1b0: {  	[tilespmem:s8+$0xFFFFFFC0] =	vst @!p2 v25  }
.LBB2_17:
0x1b1: {  	s4 =	sadd.s32 $0x1, s4;
	[tilespmem:s8+$0xFFFFFFD0] =	vst @!p2 v25  }
0x1b2: {  	s12 =	sshrl.u32 s4, $0x1;
	p3 =	slt.u32 s4, $0xFF;
	[tilespmem:s8+$0xFFFFFFE0] =	vst @!p2 v25  }
0x1b3: {  	s13 =	sand.u32 $0x7, s4;
	s12 =	sand.u32 $0x78, s12;
	[tilespmem:s8+$0xFFFFFFF0] =	vst @!p2 v25  }
.Ltmp14:
0x1b4: {  	s12 =	sor.u32 s13, s12;
	[tilespmem:s8+$0x0] =	vst @!p2 v25;
	(pc) =	sbr.rel @p3 .LBB2_17-.Ltmp14, $4  }
0x1b5: {  	p4 =	slt.s32 s12, s7;
	[tilespmem:s8+$0x10] =	vst @!p2 v25  }
0x1b6: {  	[tilespmem:s8+$0x20] =	vst @!p2 v25;
	v25 =	vimm.f32 @!p4 $0.0e+00;
	s8 =	sadd.s32 $0x80, s8;
	p2 =	por p4, p4  }
0x1b7: {  	[tilespmem:s8+$0x30] =	vst @!p2 v25  }
0x1b8: {  	[tilespmem:s8+$0xFFFFFFC0] =	vst @!p2 v25  }
.LBB2_18:
0x1b9: {  	[tilespmem:s8+$0xFFFFFFD0] =	vst @!p2 v25  }
0x1ba: {  	[tilespmem:s8+$0xFFFFFFE0] =	vst @!p2 v25  }
0x1bb: {  	[tilespmem:s8+$0xFFFFFFF0] =	vst @!p2 v25  }
0x1bc: {  	[tilespmem:s8+$0x0] =	vst @!p2 v25  }
0x1bd: {  	[tilespmem:s8+$0x10] =	vst @!p2 v25  }
0x1be: {  	[tilespmem:s8+$0x20] =	vst @!p2 v25  }
.LBB2_19:
0x1bf: {  	s3 =	sshll.u32 s3, $0x4  }
0x1c0: {  	s3 =	sand.u32 $0x1FFFF000, s3  }
.Ltmp15:
0x1c1: {  	s3 =	sadd.s32 s2, s3;
	(pc) =	sbr.rel .LBB2_21-.Ltmp15, $4  }
0x1c2: {  	[hbm4b:s3+s6] =	stream.linear.scatter [tilespmem:s15], [sflag:$0x3], $0x8000, $0x38;
	[tilespmem:$0x1B610] =	vst v63  }
0x1c3: {  	_ =	swait.ge [sflag:s19], $0x8000  }
0x1c4: {  	[sflag:s19] =	ssyncset.done $0x0  }
0x1c5: {  	[sflag:s19] =	ssyncadd.s32 $0xFFFF8000  }
.LBB2_23:
0x1c6: {  	_ =	sfence.sel $0x180000  }
0x1c7: {  	[bflag:$0x0] =	sbarrier.arrive $0xFFFF  }
0x1c8: {  	_ =	strace $0x90000047  }
0x1c9: {  	[bflag:$0x2] =	sbarrier.arrive $0xFFFF  }
0x1ca: {  	s0 =	rddreg [dreg:$0x6]  }
0x1cb: {  	s0 =	sadd.s32 @!p1 $0x100000, s0  }
0x1cc: {  	[sflag:s0] =	ssyncadd.tile.s32 @!p1 $0x1;
	_ =	shalt  }
.Lfunc_end2:
_tile_overlayer_lowered:
.L_overlay_start_2:
0x1cd: {  	(tag) =	ssettag $0x2  }
0x1ce: {  	s0 =	rddreg [dreg:$0x0];
	s2 =	stileid.u32  }
0x1cf: {  	s1 =	rddreg [dreg:$0x1];
	p0 =	sne.s32 s2, $0x0  }
0x1d0: {  	s3 =	rddreg [dreg:$0x2];
	[bflag:$0x3] =	sbarrier.arrive $0xFFFF;
	s2 =	simm.s32 @!p0 $0x1C02  }
0x1d1: {  	[timem:s3], [sflag:s2] =	dma.local @!p0 [hbm:s0], s1  }
0x1d2: {  	s0 =	simm.s32 @!p0 $0x2  }
0x1d3: {  	_ =	swait.ge @!p0 [sflag:s0], s1  }
0x1d4: {  	s1 =	ssub.s32 @!p0 $0x0, s1;
	[sflag:s0] =	ssyncset.done @!p0 $0x0  }
0x1d5: {  	[sflag:s0] =	ssyncadd.s32 @!p0 s1  }
0x1d6: {  	[bflag:$0x3] =	sbarrier.arrive $0xFFFF  }
0x1d7: {  	_ =	shalt  }

</sc_bundles>
